<compile_context>
chip_gen: v7x
topology: tpu7x:2x2x1
jax: 0.10.2.dev20260603
libtpu: 0.0.44.dev20260713+nightly
codegen_flags: <defaults>
</compile_context>

<pallas_src>
import functools

import jax
import jax.numpy as jnp
import numpy as np
from jax import lax
from jax.experimental import pallas as pl
from jax.experimental.pallas import tpu as pltpu
from jax.experimental.pallas import tpu_sc as plsc

DIM = 1024
N_TOKENS = 10
BATCH = 4
SEQ = 2058
SEQ_PAD = 2064
N_GATHER = BATCH * (SEQ - N_TOKENS)

NC = 2
NS = 16
NW = NC * NS
ROWS_PER_W = N_GATHER // NW
CHUNK = 32
N_CHUNKS = ROWS_PER_W // CHUNK
W_PER_BATCH = NW // BATCH

_OIDX = (N_TOKENS + (np.arange(NW, dtype=np.int32) % W_PER_BATCH)[:, None, None]
         * ROWS_PER_W
         + (np.arange(N_CHUNKS, dtype=np.int32) * CHUNK)[None, :, None]
         + np.arange(CHUNK, dtype=np.int32)[None, None, :])


@functools.partial(
    pl.kernel,
    mesh=plsc.VectorSubcoreMesh(
        core_axis_name="c", subcore_axis_name="s", num_cores=NC),
    out_type=jax.ShapeDtypeStruct((BATCH, SEQ_PAD, DIM), jnp.float32),
    scratch_types=[
        pltpu.VMEM((ROWS_PER_W,), jnp.int32),
        pltpu.VMEM((N_CHUNKS, CHUNK), jnp.int32),
        pltpu.VMEM((CHUNK, DIM), jnp.float32),
        pltpu.VMEM((CHUNK, DIM), jnp.float32),
        pltpu.VMEM((CHUNK, DIM), jnp.float32),
        pltpu.VMEM((16, DIM), jnp.float32),
    ] + [pltpu.SemaphoreType.DMA] * 7,
)
def _soft_embed(table_hbm, idx_hbm, learned_hbm, oidx_hbm, out_hbm,
                idx_v, oidx_v, buf0, buf1, buf2, lbuf,
                gsem0, gsem1, gsem2, ssem0, ssem1, ssem2, lsem):
    wid = lax.axis_index("s") * NC + lax.axis_index("c")
    gbase = wid * ROWS_PER_W
    b = wid // W_PER_BATCH
    is_lworker = wid % W_PER_BATCH == 0

    lane = lax.iota(jnp.int32, 16)
    lsrc = jnp.minimum(lane, N_TOKENS - 1)
    ltgt = jnp.where(lane < N_TOKENS, lane, lane + (SEQ - N_TOKENS))

    @pl.when(is_lworker)
    def _():
        pltpu.async_copy(learned_hbm.at[lsrc], lbuf, lsem)

    pltpu.sync_copy(idx_hbm.at[pl.ds(gbase, ROWS_PER_W)], idx_v)

    NBUF = 3
    bufs = (buf0, buf1, buf2)
    gsems = (gsem0, gsem1, gsem2)
    ssems = (ssem0, ssem1, ssem2)

    def start_gather(j):
        return pltpu.async_copy(
            table_hbm.at[idx_v.at[pl.ds(j * CHUNK, CHUNK)]],
            bufs[j % NBUF], gsems[j % NBUF])

    def start_scatter(j):
        return pltpu.async_copy(
            bufs[j % NBUF], out_hbm.at[b].at[oidx_v.at[j]], ssems[j % NBUF])

    gcopies = [None] * N_CHUNKS
    scopies = [None] * N_CHUNKS
    for j in range(min(NBUF, N_CHUNKS)):
        gcopies[j] = start_gather(j)

    pltpu.sync_copy(oidx_hbm.at[wid], oidx_v)

    @pl.when(is_lworker)
    def _():
        pltpu.make_async_copy(learned_hbm.at[lsrc], lbuf, lsem).wait()
        pltpu.async_copy(lbuf, out_hbm.at[b].at[ltgt], lsem)

    for j in range(N_CHUNKS):
        gcopies[j].wait()
        scopies[j] = start_scatter(j)
        nxt = j + NBUF - 1
        if j >= 1 and nxt < N_CHUNKS:
            scopies[j - 1].wait()
            gcopies[nxt] = start_gather(nxt)
    for j in range(max(0, N_CHUNKS - NBUF), N_CHUNKS):
        scopies[j].wait()

    @pl.when(is_lworker)
    def _():
        pltpu.make_async_copy(lbuf, out_hbm.at[b].at[ltgt], lsem).wait()


def kernel(tokens, wte_weight, learned_embedding):
    idx = tokens[:, N_TOKENS:].reshape(-1).astype(jnp.int32)
    out = _soft_embed(wte_weight, idx, learned_embedding, _OIDX)
    return out[:, :SEQ, :]

# --- scband reference (transcript-rebuilt; emitter-appended) ---
"""Pipeline reference for scband-soft-embedding-78494822302286 (READ-ONLY COPY).

The authoritative reference and input builder live on the scoring server;
editing this copy changes nothing except your own understanding.
"""

import jax, jax.numpy as jnp
import numpy as np

VOCAB = 100000
DIM = 1024
N_TOKENS = 10

def setup_inputs(seed: int = 0) -> dict:
    key = jax.random.key(seed)
    k1, k2 = jax.random.split(key)
    tokens = jax.random.randint(k1, (4, 2058), 0, VOCAB, dtype=jnp.int64 if jax.config.jax_enable_x64 else jnp.int32)
    wte_weight = jax.random.normal(k2, (VOCAB, DIM), dtype=jnp.float32)
    # initialize_from_vocab=True: learned_embedding = wte.weight[:n_tokens].clone()
    learned_embedding = wte_weight[:N_TOKENS]
    return {"tokens": tokens, "wte_weight": wte_weight, "learned_embedding": learned_embedding}

def reference(tokens, wte_weight, learned_embedding):
    # input_embedding = self.wte(tokens[:, self.n_tokens:])
    input_embedding = jnp.take(wte_weight, tokens[:, N_TOKENS:], axis=0)
    # learned_embedding.repeat(batch, 1, 1)
    b = input_embedding.shape[0]
    learned = jnp.broadcast_to(learned_embedding[None, :, :], (b, N_TOKENS, DIM))
    return jnp.concatenate([learned, input_embedding], axis=1)

if __name__ == "__main__":
    import jax
    _d = setup_inputs()
    print(jax.jit(kernel)(*tuple(_d.values())))

</pallas_src>

<mosaic_0001>
#map = affine_map<(d0, d1) -> (0, 0)>
#map1 = affine_map<(d0, d1) -> (0)>
#map2 = affine_map<(d0, d1) -> (0, 0, 0)>
module attributes {stable_mosaic.version = 14 : i64} {
  func.func @_soft_embed(%arg0: i32, %arg1: i32, %arg2: memref<100000x1024xf32, #tpu.memory_space<hbm>>, %arg3: memref<8192xi32, #tpu.memory_space<hbm>>, %arg4: memref<10x1024xf32, #tpu.memory_space<hbm>>, %arg5: memref<32x8x32xi32, #tpu.memory_space<hbm>>, %arg6: memref<4x2064x1024xf32, #tpu.memory_space<hbm>>, %arg7: memref<256xi32, #tpu.memory_space<vmem>>, %arg8: memref<8x32xi32, #tpu.memory_space<vmem>>, %arg9: memref<32x1024xf32, #tpu.memory_space<vmem>>, %arg10: memref<32x1024xf32, #tpu.memory_space<vmem>>, %arg11: memref<32x1024xf32, #tpu.memory_space<vmem>>, %arg12: memref<16x1024xf32, #tpu.memory_space<vmem>>, %arg13: memref<!tpu.dma_semaphore, #tpu.memory_space<semaphore_mem>>, %arg14: memref<!tpu.dma_semaphore, #tpu.memory_space<semaphore_mem>>, %arg15: memref<!tpu.dma_semaphore, #tpu.memory_space<semaphore_mem>>, %arg16: memref<!tpu.dma_semaphore, #tpu.memory_space<semaphore_mem>>, %arg17: memref<!tpu.dma_semaphore, #tpu.memory_space<semaphore_mem>>, %arg18: memref<!tpu.dma_semaphore, #tpu.memory_space<semaphore_mem>>, %arg19: memref<!tpu.dma_semaphore, #tpu.memory_space<semaphore_mem>>) attributes {dimension_semantics = [#tpu.dimension_semantics<core_parallel>, #tpu.dimension_semantics<subcore_parallel>], iteration_bounds = array<i64: 2, 16>, scalar_prefetch = 0 : i64, scratch_operands = 13 : i64, tpu.core_type = #tpu.core_type<sc_vector_subcore>, window_params = [{transform_indices = #map}, {transform_indices = #map1}, {transform_indices = #map}, {transform_indices = #map2}, {transform_indices = #map2}]} {
    %mul3A = arith.constant 2 : i32
    %mul3A_0 = arith.muli %arg1, %mul3A : i32
    %add3A = arith.addi %mul3A_0, %arg0 : i32
    %mul3A_1 = arith.constant 256 : i32
    %mul3A_2 = arith.muli %add3A, %mul3A_1 : i32
    %jit3A = arith.constant 8 : i32
    %div3A = arith.divsi %add3A, %jit3A : i32
    %sign3A = arith.constant 0 : i32
    %sign3A_3 = arith.cmpi sgt, %add3A, %sign3A : i32
    %sign3A_4 = arith.extui %sign3A_3 : i1 to i32
    %sign3A_5 = arith.constant 0 : i32
    %sign3A_6 = arith.cmpi slt, %add3A, %sign3A_5 : i32
    %sign3A_7 = arith.extui %sign3A_6 : i1 to i32
    %sign3A_8 = arith.subi %sign3A_4, %sign3A_7 : i32
    %sign3A_9 = arith.constant 0 : i32
    %sign3A_10 = arith.cmpi sgt, %jit3A, %sign3A_9 : i32
    %sign3A_11 = arith.extui %sign3A_10 : i1 to i32
    %sign3A_12 = arith.constant 0 : i32
    %sign3A_13 = arith.cmpi slt, %jit3A, %sign3A_12 : i32
    %sign3A_14 = arith.extui %sign3A_13 : i1 to i32
    %sign3A_15 = arith.subi %sign3A_11, %sign3A_14 : i32
    %ne3A = arith.cmpi ne, %sign3A_8, %sign3A_15 : i32
    %rem3A = arith.remsi %add3A, %jit3A : i32
    %ne3A_16 = arith.constant 0 : i32
    %ne3A_17 = arith.cmpi ne, %rem3A, %ne3A_16 : i32
    %and3A = arith.andi %ne3A, %ne3A_17 : i1
    %sub3A = arith.constant 1 : i32
    %sub3A_18 = arith.subi %div3A, %sub3A : i32
    %select_n3A = arith.select %and3A, %sub3A_18, %div3A : i32
    %jit3A_19 = arith.constant 8 : i32
    %eq3A = arith.constant 0 : i32
    %eq3A_20 = arith.cmpi eq, %jit3A_19, %eq3A : i32
    %jit3A_21 = arith.constant 1 : i32
    %select_n3A_22 = arith.select %eq3A_20, %jit3A_21, %jit3A_19 : i32
    %rem3A_23 = arith.remsi %add3A, %select_n3A_22 : i32
    %ne3A_24 = arith.constant 0 : i32
    %ne3A_25 = arith.cmpi ne, %rem3A_23, %ne3A_24 : i32
    %lt3A = arith.constant 0 : i32
    %lt3A_26 = arith.cmpi slt, %rem3A_23, %lt3A : i32
    %lt3A_27 = arith.constant 0 : i32
    %lt3A_28 = arith.cmpi slt, %select_n3A_22, %lt3A_27 : i32
    %ne3A_29 = arith.xori %lt3A_26, %lt3A_28 : i1
    %and3A_30 = arith.andi %ne3A_29, %ne3A_25 : i1
    %add3A_31 = arith.addi %rem3A_23, %select_n3A_22 : i32
    %select_n3A_32 = arith.select %and3A_30, %add3A_31, %rem3A_23 : i32
    %eq3A_33 = arith.constant 0 : i32
    %eq3A_34 = arith.cmpi eq, %select_n3A_32, %eq3A_33 : i32
    %iota3A = tpu.iota {dimensions = array<i32: 0>} : vector<16xi32>
    %min3A = arith.constant 9 : i32
    %min3A_35 = vector.broadcast %min3A : i32 to vector<16xi32>
    %min3A_36 = arith.minsi %iota3A, %min3A_35 : vector<16xi32>
    %lt3A_37 = arith.constant 10 : i32
    %lt3A_38 = vector.broadcast %lt3A_37 : i32 to vector<16xi32>
    %lt3A_39 = arith.cmpi slt, %iota3A, %lt3A_38 : vector<16xi32>
    %add3A_40 = arith.constant 2048 : i32
    %add3A_41 = vector.broadcast %add3A_40 : i32 to vector<16xi32>
    %add3A_42 = arith.addi %iota3A, %add3A_41 : vector<16xi32>
    %select_n3A_43 = arith.select %lt3A_39, %iota3A, %add3A_42 : vector<16xi1>, vector<16xi32>
    %convert_element_type3A = arith.extui %eq3A_34 : i1 to i32
    %cond3A = arith.constant 0 : i32
    %cond3A_44 = arith.cmpi ne, %convert_element_type3A, %cond3A : i32
    scf.if %cond3A_44 {
      %dma_start3A_305 = arith.constant 0 : i32
      %dma_start3A_306 = arith.constant 0 : i32
      %dma_start3A_307 = tpu.memref_slice %arg4[%dma_start3A_305, %dma_start3A_306] : memref<10x1024xf32, #tpu.memory_space<hbm>> -> memref<10x1024xf32, #tpu.memory_space<hbm>>
      tpu.enqueue_indirect_dma source(%dma_start3A_307 : memref<10x1024xf32, #tpu.memory_space<hbm>>) target(%arg12 : memref<16x1024xf32, #tpu.memory_space<vmem>>) offsets(%min3A_36 : vector<16xi32>) semaphore(%arg19 : memref<!tpu.dma_semaphore, #tpu.memory_space<semaphore_mem>>)
    } else {
    }
    "tpu.region"() ({
      %run_scoped3A = tpu.sem_alloc : memref<!tpu.dma_semaphore, #tpu.memory_space<semaphore_mem>>
      %dma_start3A_305 = tpu.memref_slice %arg3[%mul3A_2] : memref<8192xi32, #tpu.memory_space<hbm>> -> memref<256xi32, #tpu.memory_space<hbm>>
      %dma_start3A_306 = tpu.memref_slice %arg3[%mul3A_2] : memref<8192xi32, #tpu.memory_space<hbm>> -> memref<256xi32, #tpu.memory_space<hbm>>
      tpu.enqueue_dma source(%dma_start3A_306 : memref<256xi32, #tpu.memory_space<hbm>>) target(%arg7 : memref<256xi32, #tpu.memory_space<vmem>>) target_semaphore(%run_scoped3A : memref<!tpu.dma_semaphore, #tpu.memory_space<semaphore_mem>>)
      %dma_wait3A_307 = tpu.memref_slice %arg3[%mul3A_2] : memref<8192xi32, #tpu.memory_space<hbm>> -> memref<256xi32, #tpu.memory_space<hbm>>
      %dma_wait3A_308 = tpu.memref_slice %arg3[%mul3A_2] : memref<8192xi32, #tpu.memory_space<hbm>> -> memref<256xi32, #tpu.memory_space<hbm>>
      tpu.wait_dma2 semaphore(%run_scoped3A : memref<!tpu.dma_semaphore, #tpu.memory_space<semaphore_mem>>) src(%dma_wait3A_308 : memref<256xi32, #tpu.memory_space<hbm>>) dst(%arg7 : memref<256xi32, #tpu.memory_space<vmem>>)
      tpu.yield
    }) : () -> ()
    %dma_start3A = arith.constant 0 : i32
    %dma_start3A_45 = tpu.memref_slice %arg7[%dma_start3A] : memref<256xi32, #tpu.memory_space<vmem>> -> memref<32xi32, #tpu.memory_space<vmem>>
    %dma_start3A_46 = arith.constant 0 : i32
    %dma_start3A_47 = arith.constant 0 : i32
    %dma_start3A_48 = tpu.memref_slice %arg2[%dma_start3A_46, %dma_start3A_47] : memref<100000x1024xf32, #tpu.memory_space<hbm>> -> memref<100000x1024xf32, #tpu.memory_space<hbm>>
    tpu.enqueue_indirect_dma source(%dma_start3A_48 : memref<100000x1024xf32, #tpu.memory_space<hbm>>) target(%arg9 : memref<32x1024xf32, #tpu.memory_space<vmem>>) offsets(%dma_start3A_45 : memref<32xi32, #tpu.memory_space<vmem>>) semaphore(%arg13 : memref<!tpu.dma_semaphore, #tpu.memory_space<semaphore_mem>>)
    %dma_start3A_49 = arith.constant 32 : i32
    %dma_start3A_50 = tpu.memref_slice %arg7[%dma_start3A_49] : memref<256xi32, #tpu.memory_space<vmem>> -> memref<32xi32, #tpu.memory_space<vmem>>
    %dma_start3A_51 = arith.constant 0 : i32
    %dma_start3A_52 = arith.constant 0 : i32
    %dma_start3A_53 = tpu.memref_slice %arg2[%dma_start3A_51, %dma_start3A_52] : memref<100000x1024xf32, #tpu.memory_space<hbm>> -> memref<100000x1024xf32, #tpu.memory_space<hbm>>
    tpu.enqueue_indirect_dma source(%dma_start3A_53 : memref<100000x1024xf32, #tpu.memory_space<hbm>>) target(%arg10 : memref<32x1024xf32, #tpu.memory_space<vmem>>) offsets(%dma_start3A_50 : memref<32xi32, #tpu.memory_space<vmem>>) semaphore(%arg14 : memref<!tpu.dma_semaphore, #tpu.memory_space<semaphore_mem>>)
    %dma_start3A_54 = arith.constant 64 : i32
    %dma_start3A_55 = tpu.memref_slice %arg7[%dma_start3A_54] : memref<256xi32, #tpu.memory_space<vmem>> -> memref<32xi32, #tpu.memory_space<vmem>>
    %dma_start3A_56 = arith.constant 0 : i32
    %dma_start3A_57 = arith.constant 0 : i32
    %dma_start3A_58 = tpu.memref_slice %arg2[%dma_start3A_56, %dma_start3A_57] : memref<100000x1024xf32, #tpu.memory_space<hbm>> -> memref<100000x1024xf32, #tpu.memory_space<hbm>>
    tpu.enqueue_indirect_dma source(%dma_start3A_58 : memref<100000x1024xf32, #tpu.memory_space<hbm>>) target(%arg11 : memref<32x1024xf32, #tpu.memory_space<vmem>>) offsets(%dma_start3A_55 : memref<32xi32, #tpu.memory_space<vmem>>) semaphore(%arg15 : memref<!tpu.dma_semaphore, #tpu.memory_space<semaphore_mem>>)
    "tpu.region"() ({
      %run_scoped3A = tpu.sem_alloc : memref<!tpu.dma_semaphore, #tpu.memory_space<semaphore_mem>>
      %dma_start3A_305 = arith.constant 0 : i32
      %dma_start3A_306 = arith.constant 0 : i32
      %dma_start3A_307 = tpu.memref_slice %arg5[%add3A, %dma_start3A_305, %dma_start3A_306] : memref<32x8x32xi32, #tpu.memory_space<hbm>> -> memref<1x8x32xi32, #tpu.memory_space<hbm>>
      %dma_start3A_308 = tpu.memref_squeeze %dma_start3A_307 : memref<1x8x32xi32, #tpu.memory_space<hbm>> -> memref<8x32xi32, #tpu.memory_space<hbm>>
      %dma_start3A_309 = arith.constant 0 : i32
      %dma_start3A_310 = arith.constant 0 : i32
      %dma_start3A_311 = tpu.memref_slice %arg5[%add3A, %dma_start3A_309, %dma_start3A_310] : memref<32x8x32xi32, #tpu.memory_space<hbm>> -> memref<1x8x32xi32, #tpu.memory_space<hbm>>
      %dma_start3A_312 = tpu.memref_squeeze %dma_start3A_311 : memref<1x8x32xi32, #tpu.memory_space<hbm>> -> memref<8x32xi32, #tpu.memory_space<hbm>>
      tpu.enqueue_dma source(%dma_start3A_312 : memref<8x32xi32, #tpu.memory_space<hbm>>) target(%arg8 : memref<8x32xi32, #tpu.memory_space<vmem>>) target_semaphore(%run_scoped3A : memref<!tpu.dma_semaphore, #tpu.memory_space<semaphore_mem>>)
      %dma_wait3A_313 = arith.constant 0 : i32
      %dma_wait3A_314 = arith.constant 0 : i32
      %dma_wait3A_315 = tpu.memref_slice %arg5[%add3A, %dma_wait3A_313, %dma_wait3A_314] : memref<32x8x32xi32, #tpu.memory_space<hbm>> -> memref<1x8x32xi32, #tpu.memory_space<hbm>>
      %dma_wait3A_316 = tpu.memref_squeeze %dma_wait3A_315 : memref<1x8x32xi32, #tpu.memory_space<hbm>> -> memref<8x32xi32, #tpu.memory_space<hbm>>
      %dma_wait3A_317 = arith.constant 0 : i32
      %dma_wait3A_318 = arith.constant 0 : i32
      %dma_wait3A_319 = tpu.memref_slice %arg5[%add3A, %dma_wait3A_317, %dma_wait3A_318] : memref<32x8x32xi32, #tpu.memory_space<hbm>> -> memref<1x8x32xi32, #tpu.memory_space<hbm>>
      %dma_wait3A_320 = tpu.memref_squeeze %dma_wait3A_319 : memref<1x8x32xi32, #tpu.memory_space<hbm>> -> memref<8x32xi32, #tpu.memory_space<hbm>>
      tpu.wait_dma2 semaphore(%run_scoped3A : memref<!tpu.dma_semaphore, #tpu.memory_space<semaphore_mem>>) src(%dma_wait3A_320 : memref<8x32xi32, #tpu.memory_space<hbm>>) dst(%arg8 : memref<8x32xi32, #tpu.memory_space<vmem>>)
      tpu.yield
    }) : () -> ()
    %convert_element_type3A_59 = arith.extui %eq3A_34 : i1 to i32
    %cond3A_60 = arith.constant 0 : i32
    %cond3A_61 = arith.cmpi ne, %convert_element_type3A_59, %cond3A_60 : i32
    scf.if %cond3A_61 {
      %dma_wait3A_305 = arith.constant 0 : i32
      %dma_wait3A_306 = arith.constant 0 : i32
      %dma_wait3A_307 = tpu.memref_slice %arg4[%dma_wait3A_305, %dma_wait3A_306] : memref<10x1024xf32, #tpu.memory_space<hbm>> -> memref<10x1024xf32, #tpu.memory_space<hbm>>
      tpu.wait_indirect_dma semaphore(%arg19 : memref<!tpu.dma_semaphore, #tpu.memory_space<semaphore_mem>>) src(%dma_wait3A_307 : memref<10x1024xf32, #tpu.memory_space<hbm>>) dst(%arg12 : memref<16x1024xf32, #tpu.memory_space<vmem>>)
      %dma_start3A_308 = arith.constant 0 : i32
      %dma_start3A_309 = arith.constant 0 : i32
      %dma_start3A_310 = tpu.memref_slice %arg6[%select_n3A, %dma_start3A_308, %dma_start3A_309] : memref<4x2064x1024xf32, #tpu.memory_space<hbm>> -> memref<1x2064x1024xf32, #tpu.memory_space<hbm>>
      %dma_start3A_311 = tpu.memref_squeeze %dma_start3A_310 : memref<1x2064x1024xf32, #tpu.memory_space<hbm>> -> memref<2064x1024xf32, #tpu.memory_space<hbm>>
      %dma_start3A_312 = arith.constant 0 : i32
      %dma_start3A_313 = arith.constant 0 : i32
      %dma_start3A_314 = tpu.memref_slice %dma_start3A_311[%dma_start3A_312, %dma_start3A_313] : memref<2064x1024xf32, #tpu.memory_space<hbm>> -> memref<2064x1024xf32, #tpu.memory_space<hbm>>
      tpu.enqueue_indirect_dma source(%arg12 : memref<16x1024xf32, #tpu.memory_space<vmem>>) target(%dma_start3A_314 : memref<2064x1024xf32, #tpu.memory_space<hbm>>) offsets(%select_n3A_43 : vector<16xi32>) semaphore(%arg19 : memref<!tpu.dma_semaphore, #tpu.memory_space<semaphore_mem>>)
    } else {
    }
    %dma_wait3A = arith.constant 0 : i32
    %dma_wait3A_62 = tpu.memref_slice %arg7[%dma_wait3A] : memref<256xi32, #tpu.memory_space<vmem>> -> memref<32xi32, #tpu.memory_space<vmem>>
    %dma_wait3A_63 = arith.constant 0 : i32
    %dma_wait3A_64 = arith.constant 0 : i32
    %dma_wait3A_65 = tpu.memref_slice %arg2[%dma_wait3A_63, %dma_wait3A_64] : memref<100000x1024xf32, #tpu.memory_space<hbm>> -> memref<100000x1024xf32, #tpu.memory_space<hbm>>
    tpu.wait_indirect_dma semaphore(%arg13 : memref<!tpu.dma_semaphore, #tpu.memory_space<semaphore_mem>>) src(%dma_wait3A_65 : memref<100000x1024xf32, #tpu.memory_space<hbm>>) dst(%arg9 : memref<32x1024xf32, #tpu.memory_space<vmem>>)
    %dma_start3A_66 = arith.constant 0 : i32
    %dma_start3A_67 = arith.constant 0 : i32
    %dma_start3A_68 = tpu.memref_slice %arg8[%dma_start3A_66, %dma_start3A_67] : memref<8x32xi32, #tpu.memory_space<vmem>> -> memref<1x32xi32, #tpu.memory_space<vmem>>
    %dma_start3A_69 = tpu.memref_squeeze %dma_start3A_68 : memref<1x32xi32, #tpu.memory_space<vmem>> -> memref<32xi32, #tpu.memory_space<vmem>>
    %dma_start3A_70 = arith.constant 0 : i32
    %dma_start3A_71 = arith.constant 0 : i32
    %dma_start3A_72 = tpu.memref_slice %arg6[%select_n3A, %dma_start3A_70, %dma_start3A_71] : memref<4x2064x1024xf32, #tpu.memory_space<hbm>> -> memref<1x2064x1024xf32, #tpu.memory_space<hbm>>
    %dma_start3A_73 = tpu.memref_squeeze %dma_start3A_72 : memref<1x2064x1024xf32, #tpu.memory_space<hbm>> -> memref<2064x1024xf32, #tpu.memory_space<hbm>>
    %dma_start3A_74 = arith.constant 0 : i32
    %dma_start3A_75 = arith.constant 0 : i32
    %dma_start3A_76 = tpu.memref_slice %dma_start3A_73[%dma_start3A_74, %dma_start3A_75] : memref<2064x1024xf32, #tpu.memory_space<hbm>> -> memref<2064x1024xf32, #tpu.memory_space<hbm>>
    tpu.enqueue_indirect_dma source(%arg9 : memref<32x1024xf32, #tpu.memory_space<vmem>>) target(%dma_start3A_76 : memref<2064x1024xf32, #tpu.memory_space<hbm>>) offsets(%dma_start3A_69 : memref<32xi32, #tpu.memory_space<vmem>>) semaphore(%arg16 : memref<!tpu.dma_semaphore, #tpu.memory_space<semaphore_mem>>)
    %dma_wait3A_77 = arith.constant 32 : i32
    %dma_wait3A_78 = tpu.memref_slice %arg7[%dma_wait3A_77] : memref<256xi32, #tpu.memory_space<vmem>> -> memref<32xi32, #tpu.memory_space<vmem>>
    %dma_wait3A_79 = arith.constant 0 : i32
    %dma_wait3A_80 = arith.constant 0 : i32
    %dma_wait3A_81 = tpu.memref_slice %arg2[%dma_wait3A_79, %dma_wait3A_80] : memref<100000x1024xf32, #tpu.memory_space<hbm>> -> memref<100000x1024xf32, #tpu.memory_space<hbm>>
    tpu.wait_indirect_dma semaphore(%arg14 : memref<!tpu.dma_semaphore, #tpu.memory_space<semaphore_mem>>) src(%dma_wait3A_81 : memref<100000x1024xf32, #tpu.memory_space<hbm>>) dst(%arg10 : memref<32x1024xf32, #tpu.memory_space<vmem>>)
    %dma_start3A_82 = arith.constant 1 : i32
    %dma_start3A_83 = arith.constant 0 : i32
    %dma_start3A_84 = tpu.memref_slice %arg8[%dma_start3A_82, %dma_start3A_83] : memref<8x32xi32, #tpu.memory_space<vmem>> -> memref<1x32xi32, #tpu.memory_space<vmem>>
    %dma_start3A_85 = tpu.memref_squeeze %dma_start3A_84 : memref<1x32xi32, #tpu.memory_space<vmem>> -> memref<32xi32, #tpu.memory_space<vmem>>
    %dma_start3A_86 = arith.constant 0 : i32
    %dma_start3A_87 = arith.constant 0 : i32
    %dma_start3A_88 = tpu.memref_slice %arg6[%select_n3A, %dma_start3A_86, %dma_start3A_87] : memref<4x2064x1024xf32, #tpu.memory_space<hbm>> -> memref<1x2064x1024xf32, #tpu.memory_space<hbm>>
    %dma_start3A_89 = tpu.memref_squeeze %dma_start3A_88 : memref<1x2064x1024xf32, #tpu.memory_space<hbm>> -> memref<2064x1024xf32, #tpu.memory_space<hbm>>
    %dma_start3A_90 = arith.constant 0 : i32
    %dma_start3A_91 = arith.constant 0 : i32
    %dma_start3A_92 = tpu.memref_slice %dma_start3A_89[%dma_start3A_90, %dma_start3A_91] : memref<2064x1024xf32, #tpu.memory_space<hbm>> -> memref<2064x1024xf32, #tpu.memory_space<hbm>>
    tpu.enqueue_indirect_dma source(%arg10 : memref<32x1024xf32, #tpu.memory_space<vmem>>) target(%dma_start3A_92 : memref<2064x1024xf32, #tpu.memory_space<hbm>>) offsets(%dma_start3A_85 : memref<32xi32, #tpu.memory_space<vmem>>) semaphore(%arg17 : memref<!tpu.dma_semaphore, #tpu.memory_space<semaphore_mem>>)
    %dma_wait3A_93 = arith.constant 0 : i32
    %dma_wait3A_94 = arith.constant 0 : i32
    %dma_wait3A_95 = tpu.memref_slice %arg8[%dma_wait3A_93, %dma_wait3A_94] : memref<8x32xi32, #tpu.memory_space<vmem>> -> memref<1x32xi32, #tpu.memory_space<vmem>>
    %dma_wait3A_96 = tpu.memref_squeeze %dma_wait3A_95 : memref<1x32xi32, #tpu.memory_space<vmem>> -> memref<32xi32, #tpu.memory_space<vmem>>
    %dma_wait3A_97 = arith.constant 0 : i32
    %dma_wait3A_98 = arith.constant 0 : i32
    %dma_wait3A_99 = tpu.memref_slice %arg6[%select_n3A, %dma_wait3A_97, %dma_wait3A_98] : memref<4x2064x1024xf32, #tpu.memory_space<hbm>> -> memref<1x2064x1024xf32, #tpu.memory_space<hbm>>
    %dma_wait3A_100 = tpu.memref_squeeze %dma_wait3A_99 : memref<1x2064x1024xf32, #tpu.memory_space<hbm>> -> memref<2064x1024xf32, #tpu.memory_space<hbm>>
    %dma_wait3A_101 = arith.constant 0 : i32
    %dma_wait3A_102 = arith.constant 0 : i32
    %dma_wait3A_103 = tpu.memref_slice %dma_wait3A_100[%dma_wait3A_101, %dma_wait3A_102] : memref<2064x1024xf32, #tpu.memory_space<hbm>> -> memref<2064x1024xf32, #tpu.memory_space<hbm>>
    tpu.wait_indirect_dma semaphore(%arg16 : memref<!tpu.dma_semaphore, #tpu.memory_space<semaphore_mem>>) src(%arg9 : memref<32x1024xf32, #tpu.memory_space<vmem>>) dst(%dma_wait3A_103 : memref<2064x1024xf32, #tpu.memory_space<hbm>>)
    %dma_start3A_104 = arith.constant 96 : i32
    %dma_start3A_105 = tpu.memref_slice %arg7[%dma_start3A_104] : memref<256xi32, #tpu.memory_space<vmem>> -> memref<32xi32, #tpu.memory_space<vmem>>
    %dma_start3A_106 = arith.constant 0 : i32
    %dma_start3A_107 = arith.constant 0 : i32
    %dma_start3A_108 = tpu.memref_slice %arg2[%dma_start3A_106, %dma_start3A_107] : memref<100000x1024xf32, #tpu.memory_space<hbm>> -> memref<100000x1024xf32, #tpu.memory_space<hbm>>
    tpu.enqueue_indirect_dma source(%dma_start3A_108 : memref<100000x1024xf32, #tpu.memory_space<hbm>>) target(%arg9 : memref<32x1024xf32, #tpu.memory_space<vmem>>) offsets(%dma_start3A_105 : memref<32xi32, #tpu.memory_space<vmem>>) semaphore(%arg13 : memref<!tpu.dma_semaphore, #tpu.memory_space<semaphore_mem>>)
    %dma_wait3A_109 = arith.constant 64 : i32
    %dma_wait3A_110 = tpu.memref_slice %arg7[%dma_wait3A_109] : memref<256xi32, #tpu.memory_space<vmem>> -> memref<32xi32, #tpu.memory_space<vmem>>
    %dma_wait3A_111 = arith.constant 0 : i32
    %dma_wait3A_112 = arith.constant 0 : i32
    %dma_wait3A_113 = tpu.memref_slice %arg2[%dma_wait3A_111, %dma_wait3A_112] : memref<100000x1024xf32, #tpu.memory_space<hbm>> -> memref<100000x1024xf32, #tpu.memory_space<hbm>>
    tpu.wait_indirect_dma semaphore(%arg15 : memref<!tpu.dma_semaphore, #tpu.memory_space<semaphore_mem>>) src(%dma_wait3A_113 : memref<100000x1024xf32, #tpu.memory_space<hbm>>) dst(%arg11 : memref<32x1024xf32, #tpu.memory_space<vmem>>)
    %dma_start3A_114 = arith.constant 2 : i32
    %dma_start3A_115 = arith.constant 0 : i32
    %dma_start3A_116 = tpu.memref_slice %arg8[%dma_start3A_114, %dma_start3A_115] : memref<8x32xi32, #tpu.memory_space<vmem>> -> memref<1x32xi32, #tpu.memory_space<vmem>>
    %dma_start3A_117 = tpu.memref_squeeze %dma_start3A_116 : memref<1x32xi32, #tpu.memory_space<vmem>> -> memref<32xi32, #tpu.memory_space<vmem>>
    %dma_start3A_118 = arith.constant 0 : i32
    %dma_start3A_119 = arith.constant 0 : i32
    %dma_start3A_120 = tpu.memref_slice %arg6[%select_n3A, %dma_start3A_118, %dma_start3A_119] : memref<4x2064x1024xf32, #tpu.memory_space<hbm>> -> memref<1x2064x1024xf32, #tpu.memory_space<hbm>>
    %dma_start3A_121 = tpu.memref_squeeze %dma_start3A_120 : memref<1x2064x1024xf32, #tpu.memory_space<hbm>> -> memref<2064x1024xf32, #tpu.memory_space<hbm>>
    %dma_start3A_122 = arith.constant 0 : i32
    %dma_start3A_123 = arith.constant 0 : i32
    %dma_start3A_124 = tpu.memref_slice %dma_start3A_121[%dma_start3A_122, %dma_start3A_123] : memref<2064x1024xf32, #tpu.memory_space<hbm>> -> memref<2064x1024xf32, #tpu.memory_space<hbm>>
    tpu.enqueue_indirect_dma source(%arg11 : memref<32x1024xf32, #tpu.memory_space<vmem>>) target(%dma_start3A_124 : memref<2064x1024xf32, #tpu.memory_space<hbm>>) offsets(%dma_start3A_117 : memref<32xi32, #tpu.memory_space<vmem>>) semaphore(%arg18 : memref<!tpu.dma_semaphore, #tpu.memory_space<semaphore_mem>>)
    %dma_wait3A_125 = arith.constant 1 : i32
    %dma_wait3A_126 = arith.constant 0 : i32
    %dma_wait3A_127 = tpu.memref_slice %arg8[%dma_wait3A_125, %dma_wait3A_126] : memref<8x32xi32, #tpu.memory_space<vmem>> -> memref<1x32xi32, #tpu.memory_space<vmem>>
    %dma_wait3A_128 = tpu.memref_squeeze %dma_wait3A_127 : memref<1x32xi32, #tpu.memory_space<vmem>> -> memref<32xi32, #tpu.memory_space<vmem>>
    %dma_wait3A_129 = arith.constant 0 : i32
    %dma_wait3A_130 = arith.constant 0 : i32
    %dma_wait3A_131 = tpu.memref_slice %arg6[%select_n3A, %dma_wait3A_129, %dma_wait3A_130] : memref<4x2064x1024xf32, #tpu.memory_space<hbm>> -> memref<1x2064x1024xf32, #tpu.memory_space<hbm>>
    %dma_wait3A_132 = tpu.memref_squeeze %dma_wait3A_131 : memref<1x2064x1024xf32, #tpu.memory_space<hbm>> -> memref<2064x1024xf32, #tpu.memory_space<hbm>>
    %dma_wait3A_133 = arith.constant 0 : i32
    %dma_wait3A_134 = arith.constant 0 : i32
    %dma_wait3A_135 = tpu.memref_slice %dma_wait3A_132[%dma_wait3A_133, %dma_wait3A_134] : memref<2064x1024xf32, #tpu.memory_space<hbm>> -> memref<2064x1024xf32, #tpu.memory_space<hbm>>
    tpu.wait_indirect_dma semaphore(%arg17 : memref<!tpu.dma_semaphore, #tpu.memory_space<semaphore_mem>>) src(%arg10 : memref<32x1024xf32, #tpu.memory_space<vmem>>) dst(%dma_wait3A_135 : memref<2064x1024xf32, #tpu.memory_space<hbm>>)
    %dma_start3A_136 = arith.constant 128 : i32
    %dma_start3A_137 = tpu.memref_slice %arg7[%dma_start3A_136] : memref<256xi32, #tpu.memory_space<vmem>> -> memref<32xi32, #tpu.memory_space<vmem>>
    %dma_start3A_138 = arith.constant 0 : i32
    %dma_start3A_139 = arith.constant 0 : i32
    %dma_start3A_140 = tpu.memref_slice %arg2[%dma_start3A_138, %dma_start3A_139] : memref<100000x1024xf32, #tpu.memory_space<hbm>> -> memref<100000x1024xf32, #tpu.memory_space<hbm>>
    tpu.enqueue_indirect_dma source(%dma_start3A_140 : memref<100000x1024xf32, #tpu.memory_space<hbm>>) target(%arg10 : memref<32x1024xf32, #tpu.memory_space<vmem>>) offsets(%dma_start3A_137 : memref<32xi32, #tpu.memory_space<vmem>>) semaphore(%arg14 : memref<!tpu.dma_semaphore, #tpu.memory_space<semaphore_mem>>)
    %dma_wait3A_141 = arith.constant 96 : i32
    %dma_wait3A_142 = tpu.memref_slice %arg7[%dma_wait3A_141] : memref<256xi32, #tpu.memory_space<vmem>> -> memref<32xi32, #tpu.memory_space<vmem>>
    %dma_wait3A_143 = arith.constant 0 : i32
    %dma_wait3A_144 = arith.constant 0 : i32
    %dma_wait3A_145 = tpu.memref_slice %arg2[%dma_wait3A_143, %dma_wait3A_144] : memref<100000x1024xf32, #tpu.memory_space<hbm>> -> memref<100000x1024xf32, #tpu.memory_space<hbm>>
    tpu.wait_indirect_dma semaphore(%arg13 : memref<!tpu.dma_semaphore, #tpu.memory_space<semaphore_mem>>) src(%dma_wait3A_145 : memref<100000x1024xf32, #tpu.memory_space<hbm>>) dst(%arg9 : memref<32x1024xf32, #tpu.memory_space<vmem>>)
    %dma_start3A_146 = arith.constant 3 : i32
    %dma_start3A_147 = arith.constant 0 : i32
    %dma_start3A_148 = tpu.memref_slice %arg8[%dma_start3A_146, %dma_start3A_147] : memref<8x32xi32, #tpu.memory_space<vmem>> -> memref<1x32xi32, #tpu.memory_space<vmem>>
    %dma_start3A_149 = tpu.memref_squeeze %dma_start3A_148 : memref<1x32xi32, #tpu.memory_space<vmem>> -> memref<32xi32, #tpu.memory_space<vmem>>
    %dma_start3A_150 = arith.constant 0 : i32
    %dma_start3A_151 = arith.constant 0 : i32
    %dma_start3A_152 = tpu.memref_slice %arg6[%select_n3A, %dma_start3A_150, %dma_start3A_151] : memref<4x2064x1024xf32, #tpu.memory_space<hbm>> -> memref<1x2064x1024xf32, #tpu.memory_space<hbm>>
    %dma_start3A_153 = tpu.memref_squeeze %dma_start3A_152 : memref<1x2064x1024xf32, #tpu.memory_space<hbm>> -> memref<2064x1024xf32, #tpu.memory_space<hbm>>
    %dma_start3A_154 = arith.constant 0 : i32
    %dma_start3A_155 = arith.constant 0 : i32
    %dma_start3A_156 = tpu.memref_slice %dma_start3A_153[%dma_start3A_154, %dma_start3A_155] : memref<2064x1024xf32, #tpu.memory_space<hbm>> -> memref<2064x1024xf32, #tpu.memory_space<hbm>>
    tpu.enqueue_indirect_dma source(%arg9 : memref<32x1024xf32, #tpu.memory_space<vmem>>) target(%dma_start3A_156 : memref<2064x1024xf32, #tpu.memory_space<hbm>>) offsets(%dma_start3A_149 : memref<32xi32, #tpu.memory_space<vmem>>) semaphore(%arg16 : memref<!tpu.dma_semaphore, #tpu.memory_space<semaphore_mem>>)
    %dma_wait3A_157 = arith.constant 2 : i32
    %dma_wait3A_158 = arith.constant 0 : i32
    %dma_wait3A_159 = tpu.memref_slice %arg8[%dma_wait3A_157, %dma_wait3A_158] : memref<8x32xi32, #tpu.memory_space<vmem>> -> memref<1x32xi32, #tpu.memory_space<vmem>>
    %dma_wait3A_160 = tpu.memref_squeeze %dma_wait3A_159 : memref<1x32xi32, #tpu.memory_space<vmem>> -> memref<32xi32, #tpu.memory_space<vmem>>
    %dma_wait3A_161 = arith.constant 0 : i32
    %dma_wait3A_162 = arith.constant 0 : i32
    %dma_wait3A_163 = tpu.memref_slice %arg6[%select_n3A, %dma_wait3A_161, %dma_wait3A_162] : memref<4x2064x1024xf32, #tpu.memory_space<hbm>> -> memref<1x2064x1024xf32, #tpu.memory_space<hbm>>
    %dma_wait3A_164 = tpu.memref_squeeze %dma_wait3A_163 : memref<1x2064x1024xf32, #tpu.memory_space<hbm>> -> memref<2064x1024xf32, #tpu.memory_space<hbm>>
    %dma_wait3A_165 = arith.constant 0 : i32
    %dma_wait3A_166 = arith.constant 0 : i32
    %dma_wait3A_167 = tpu.memref_slice %dma_wait3A_164[%dma_wait3A_165, %dma_wait3A_166] : memref<2064x1024xf32, #tpu.memory_space<hbm>> -> memref<2064x1024xf32, #tpu.memory_space<hbm>>
    tpu.wait_indirect_dma semaphore(%arg18 : memref<!tpu.dma_semaphore, #tpu.memory_space<semaphore_mem>>) src(%arg11 : memref<32x1024xf32, #tpu.memory_space<vmem>>) dst(%dma_wait3A_167 : memref<2064x1024xf32, #tpu.memory_space<hbm>>)
    %dma_start3A_168 = arith.constant 160 : i32
    %dma_start3A_169 = tpu.memref_slice %arg7[%dma_start3A_168] : memref<256xi32, #tpu.memory_space<vmem>> -> memref<32xi32, #tpu.memory_space<vmem>>
    %dma_start3A_170 = arith.constant 0 : i32
    %dma_start3A_171 = arith.constant 0 : i32
    %dma_start3A_172 = tpu.memref_slice %arg2[%dma_start3A_170, %dma_start3A_171] : memref<100000x1024xf32, #tpu.memory_space<hbm>> -> memref<100000x1024xf32, #tpu.memory_space<hbm>>
    tpu.enqueue_indirect_dma source(%dma_start3A_172 : memref<100000x1024xf32, #tpu.memory_space<hbm>>) target(%arg11 : memref<32x1024xf32, #tpu.memory_space<vmem>>) offsets(%dma_start3A_169 : memref<32xi32, #tpu.memory_space<vmem>>) semaphore(%arg15 : memref<!tpu.dma_semaphore, #tpu.memory_space<semaphore_mem>>)
    %dma_wait3A_173 = arith.constant 128 : i32
    %dma_wait3A_174 = tpu.memref_slice %arg7[%dma_wait3A_173] : memref<256xi32, #tpu.memory_space<vmem>> -> memref<32xi32, #tpu.memory_space<vmem>>
    %dma_wait3A_175 = arith.constant 0 : i32
    %dma_wait3A_176 = arith.constant 0 : i32
    %dma_wait3A_177 = tpu.memref_slice %arg2[%dma_wait3A_175, %dma_wait3A_176] : memref<100000x1024xf32, #tpu.memory_space<hbm>> -> memref<100000x1024xf32, #tpu.memory_space<hbm>>
    tpu.wait_indirect_dma semaphore(%arg14 : memref<!tpu.dma_semaphore, #tpu.memory_space<semaphore_mem>>) src(%dma_wait3A_177 : memref<100000x1024xf32, #tpu.memory_space<hbm>>) dst(%arg10 : memref<32x1024xf32, #tpu.memory_space<vmem>>)
    %dma_start3A_178 = arith.constant 4 : i32
    %dma_start3A_179 = arith.constant 0 : i32
    %dma_start3A_180 = tpu.memref_slice %arg8[%dma_start3A_178, %dma_start3A_179] : memref<8x32xi32, #tpu.memory_space<vmem>> -> memref<1x32xi32, #tpu.memory_space<vmem>>
    %dma_start3A_181 = tpu.memref_squeeze %dma_start3A_180 : memref<1x32xi32, #tpu.memory_space<vmem>> -> memref<32xi32, #tpu.memory_space<vmem>>
    %dma_start3A_182 = arith.constant 0 : i32
    %dma_start3A_183 = arith.constant 0 : i32
    %dma_start3A_184 = tpu.memref_slice %arg6[%select_n3A, %dma_start3A_182, %dma_start3A_183] : memref<4x2064x1024xf32, #tpu.memory_space<hbm>> -> memref<1x2064x1024xf32, #tpu.memory_space<hbm>>
    %dma_start3A_185 = tpu.memref_squeeze %dma_start3A_184 : memref<1x2064x1024xf32, #tpu.memory_space<hbm>> -> memref<2064x1024xf32, #tpu.memory_space<hbm>>
    %dma_start3A_186 = arith.constant 0 : i32
    %dma_start3A_187 = arith.constant 0 : i32
    %dma_start3A_188 = tpu.memref_slice %dma_start3A_185[%dma_start3A_186, %dma_start3A_187] : memref<2064x1024xf32, #tpu.memory_space<hbm>> -> memref<2064x1024xf32, #tpu.memory_space<hbm>>
    tpu.enqueue_indirect_dma source(%arg10 : memref<32x1024xf32, #tpu.memory_space<vmem>>) target(%dma_start3A_188 : memref<2064x1024xf32, #tpu.memory_space<hbm>>) offsets(%dma_start3A_181 : memref<32xi32, #tpu.memory_space<vmem>>) semaphore(%arg17 : memref<!tpu.dma_semaphore, #tpu.memory_space<semaphore_mem>>)
    %dma_wait3A_189 = arith.constant 3 : i32
    %dma_wait3A_190 = arith.constant 0 : i32
    %dma_wait3A_191 = tpu.memref_slice %arg8[%dma_wait3A_189, %dma_wait3A_190] : memref<8x32xi32, #tpu.memory_space<vmem>> -> memref<1x32xi32, #tpu.memory_space<vmem>>
    %dma_wait3A_192 = tpu.memref_squeeze %dma_wait3A_191 : memref<1x32xi32, #tpu.memory_space<vmem>> -> memref<32xi32, #tpu.memory_space<vmem>>
    %dma_wait3A_193 = arith.constant 0 : i32
    %dma_wait3A_194 = arith.constant 0 : i32
    %dma_wait3A_195 = tpu.memref_slice %arg6[%select_n3A, %dma_wait3A_193, %dma_wait3A_194] : memref<4x2064x1024xf32, #tpu.memory_space<hbm>> -> memref<1x2064x1024xf32, #tpu.memory_space<hbm>>
    %dma_wait3A_196 = tpu.memref_squeeze %dma_wait3A_195 : memref<1x2064x1024xf32, #tpu.memory_space<hbm>> -> memref<2064x1024xf32, #tpu.memory_space<hbm>>
    %dma_wait3A_197 = arith.constant 0 : i32
    %dma_wait3A_198 = arith.constant 0 : i32
    %dma_wait3A_199 = tpu.memref_slice %dma_wait3A_196[%dma_wait3A_197, %dma_wait3A_198] : memref<2064x1024xf32, #tpu.memory_space<hbm>> -> memref<2064x1024xf32, #tpu.memory_space<hbm>>
    tpu.wait_indirect_dma semaphore(%arg16 : memref<!tpu.dma_semaphore, #tpu.memory_space<semaphore_mem>>) src(%arg9 : memref<32x1024xf32, #tpu.memory_space<vmem>>) dst(%dma_wait3A_199 : memref<2064x1024xf32, #tpu.memory_space<hbm>>)
    %dma_start3A_200 = arith.constant 192 : i32
    %dma_start3A_201 = tpu.memref_slice %arg7[%dma_start3A_200] : memref<256xi32, #tpu.memory_space<vmem>> -> memref<32xi32, #tpu.memory_space<vmem>>
    %dma_start3A_202 = arith.constant 0 : i32
    %dma_start3A_203 = arith.constant 0 : i32
    %dma_start3A_204 = tpu.memref_slice %arg2[%dma_start3A_202, %dma_start3A_203] : memref<100000x1024xf32, #tpu.memory_space<hbm>> -> memref<100000x1024xf32, #tpu.memory_space<hbm>>
    tpu.enqueue_indirect_dma source(%dma_start3A_204 : memref<100000x1024xf32, #tpu.memory_space<hbm>>) target(%arg9 : memref<32x1024xf32, #tpu.memory_space<vmem>>) offsets(%dma_start3A_201 : memref<32xi32, #tpu.memory_space<vmem>>) semaphore(%arg13 : memref<!tpu.dma_semaphore, #tpu.memory_space<semaphore_mem>>)
    %dma_wait3A_205 = arith.constant 160 : i32
    %dma_wait3A_206 = tpu.memref_slice %arg7[%dma_wait3A_205] : memref<256xi32, #tpu.memory_space<vmem>> -> memref<32xi32, #tpu.memory_space<vmem>>
    %dma_wait3A_207 = arith.constant 0 : i32
    %dma_wait3A_208 = arith.constant 0 : i32
    %dma_wait3A_209 = tpu.memref_slice %arg2[%dma_wait3A_207, %dma_wait3A_208] : memref<100000x1024xf32, #tpu.memory_space<hbm>> -> memref<100000x1024xf32, #tpu.memory_space<hbm>>
    tpu.wait_indirect_dma semaphore(%arg15 : memref<!tpu.dma_semaphore, #tpu.memory_space<semaphore_mem>>) src(%dma_wait3A_209 : memref<100000x1024xf32, #tpu.memory_space<hbm>>) dst(%arg11 : memref<32x1024xf32, #tpu.memory_space<vmem>>)
    %dma_start3A_210 = arith.constant 5 : i32
    %dma_start3A_211 = arith.constant 0 : i32
    %dma_start3A_212 = tpu.memref_slice %arg8[%dma_start3A_210, %dma_start3A_211] : memref<8x32xi32, #tpu.memory_space<vmem>> -> memref<1x32xi32, #tpu.memory_space<vmem>>
    %dma_start3A_213 = tpu.memref_squeeze %dma_start3A_212 : memref<1x32xi32, #tpu.memory_space<vmem>> -> memref<32xi32, #tpu.memory_space<vmem>>
    %dma_start3A_214 = arith.constant 0 : i32
    %dma_start3A_215 = arith.constant 0 : i32
    %dma_start3A_216 = tpu.memref_slice %arg6[%select_n3A, %dma_start3A_214, %dma_start3A_215] : memref<4x2064x1024xf32, #tpu.memory_space<hbm>> -> memref<1x2064x1024xf32, #tpu.memory_space<hbm>>
    %dma_start3A_217 = tpu.memref_squeeze %dma_start3A_216 : memref<1x2064x1024xf32, #tpu.memory_space<hbm>> -> memref<2064x1024xf32, #tpu.memory_space<hbm>>
    %dma_start3A_218 = arith.constant 0 : i32
    %dma_start3A_219 = arith.constant 0 : i32
    %dma_start3A_220 = tpu.memref_slice %dma_start3A_217[%dma_start3A_218, %dma_start3A_219] : memref<2064x1024xf32, #tpu.memory_space<hbm>> -> memref<2064x1024xf32, #tpu.memory_space<hbm>>
    tpu.enqueue_indirect_dma source(%arg11 : memref<32x1024xf32, #tpu.memory_space<vmem>>) target(%dma_start3A_220 : memref<2064x1024xf32, #tpu.memory_space<hbm>>) offsets(%dma_start3A_213 : memref<32xi32, #tpu.memory_space<vmem>>) semaphore(%arg18 : memref<!tpu.dma_semaphore, #tpu.memory_space<semaphore_mem>>)
    %dma_wait3A_221 = arith.constant 4 : i32
    %dma_wait3A_222 = arith.constant 0 : i32
    %dma_wait3A_223 = tpu.memref_slice %arg8[%dma_wait3A_221, %dma_wait3A_222] : memref<8x32xi32, #tpu.memory_space<vmem>> -> memref<1x32xi32, #tpu.memory_space<vmem>>
    %dma_wait3A_224 = tpu.memref_squeeze %dma_wait3A_223 : memref<1x32xi32, #tpu.memory_space<vmem>> -> memref<32xi32, #tpu.memory_space<vmem>>
    %dma_wait3A_225 = arith.constant 0 : i32
    %dma_wait3A_226 = arith.constant 0 : i32
    %dma_wait3A_227 = tpu.memref_slice %arg6[%select_n3A, %dma_wait3A_225, %dma_wait3A_226] : memref<4x2064x1024xf32, #tpu.memory_space<hbm>> -> memref<1x2064x1024xf32, #tpu.memory_space<hbm>>
    %dma_wait3A_228 = tpu.memref_squeeze %dma_wait3A_227 : memref<1x2064x1024xf32, #tpu.memory_space<hbm>> -> memref<2064x1024xf32, #tpu.memory_space<hbm>>
    %dma_wait3A_229 = arith.constant 0 : i32
    %dma_wait3A_230 = arith.constant 0 : i32
    %dma_wait3A_231 = tpu.memref_slice %dma_wait3A_228[%dma_wait3A_229, %dma_wait3A_230] : memref<2064x1024xf32, #tpu.memory_space<hbm>> -> memref<2064x1024xf32, #tpu.memory_space<hbm>>
    tpu.wait_indirect_dma semaphore(%arg17 : memref<!tpu.dma_semaphore, #tpu.memory_space<semaphore_mem>>) src(%arg10 : memref<32x1024xf32, #tpu.memory_space<vmem>>) dst(%dma_wait3A_231 : memref<2064x1024xf32, #tpu.memory_space<hbm>>)
    %dma_start3A_232 = arith.constant 224 : i32
    %dma_start3A_233 = tpu.memref_slice %arg7[%dma_start3A_232] : memref<256xi32, #tpu.memory_space<vmem>> -> memref<32xi32, #tpu.memory_space<vmem>>
    %dma_start3A_234 = arith.constant 0 : i32
    %dma_start3A_235 = arith.constant 0 : i32
    %dma_start3A_236 = tpu.memref_slice %arg2[%dma_start3A_234, %dma_start3A_235] : memref<100000x1024xf32, #tpu.memory_space<hbm>> -> memref<100000x1024xf32, #tpu.memory_space<hbm>>
    tpu.enqueue_indirect_dma source(%dma_start3A_236 : memref<100000x1024xf32, #tpu.memory_space<hbm>>) target(%arg10 : memref<32x1024xf32, #tpu.memory_space<vmem>>) offsets(%dma_start3A_233 : memref<32xi32, #tpu.memory_space<vmem>>) semaphore(%arg14 : memref<!tpu.dma_semaphore, #tpu.memory_space<semaphore_mem>>)
    %dma_wait3A_237 = arith.constant 192 : i32
    %dma_wait3A_238 = tpu.memref_slice %arg7[%dma_wait3A_237] : memref<256xi32, #tpu.memory_space<vmem>> -> memref<32xi32, #tpu.memory_space<vmem>>
    %dma_wait3A_239 = arith.constant 0 : i32
    %dma_wait3A_240 = arith.constant 0 : i32
    %dma_wait3A_241 = tpu.memref_slice %arg2[%dma_wait3A_239, %dma_wait3A_240] : memref<100000x1024xf32, #tpu.memory_space<hbm>> -> memref<100000x1024xf32, #tpu.memory_space<hbm>>
    tpu.wait_indirect_dma semaphore(%arg13 : memref<!tpu.dma_semaphore, #tpu.memory_space<semaphore_mem>>) src(%dma_wait3A_241 : memref<100000x1024xf32, #tpu.memory_space<hbm>>) dst(%arg9 : memref<32x1024xf32, #tpu.memory_space<vmem>>)
    %dma_start3A_242 = arith.constant 6 : i32
    %dma_start3A_243 = arith.constant 0 : i32
    %dma_start3A_244 = tpu.memref_slice %arg8[%dma_start3A_242, %dma_start3A_243] : memref<8x32xi32, #tpu.memory_space<vmem>> -> memref<1x32xi32, #tpu.memory_space<vmem>>
    %dma_start3A_245 = tpu.memref_squeeze %dma_start3A_244 : memref<1x32xi32, #tpu.memory_space<vmem>> -> memref<32xi32, #tpu.memory_space<vmem>>
    %dma_start3A_246 = arith.constant 0 : i32
    %dma_start3A_247 = arith.constant 0 : i32
    %dma_start3A_248 = tpu.memref_slice %arg6[%select_n3A, %dma_start3A_246, %dma_start3A_247] : memref<4x2064x1024xf32, #tpu.memory_space<hbm>> -> memref<1x2064x1024xf32, #tpu.memory_space<hbm>>
    %dma_start3A_249 = tpu.memref_squeeze %dma_start3A_248 : memref<1x2064x1024xf32, #tpu.memory_space<hbm>> -> memref<2064x1024xf32, #tpu.memory_space<hbm>>
    %dma_start3A_250 = arith.constant 0 : i32
    %dma_start3A_251 = arith.constant 0 : i32
    %dma_start3A_252 = tpu.memref_slice %dma_start3A_249[%dma_start3A_250, %dma_start3A_251] : memref<2064x1024xf32, #tpu.memory_space<hbm>> -> memref<2064x1024xf32, #tpu.memory_space<hbm>>
    tpu.enqueue_indirect_dma source(%arg9 : memref<32x1024xf32, #tpu.memory_space<vmem>>) target(%dma_start3A_252 : memref<2064x1024xf32, #tpu.memory_space<hbm>>) offsets(%dma_start3A_245 : memref<32xi32, #tpu.memory_space<vmem>>) semaphore(%arg16 : memref<!tpu.dma_semaphore, #tpu.memory_space<semaphore_mem>>)
    %dma_wait3A_253 = arith.constant 224 : i32
    %dma_wait3A_254 = tpu.memref_slice %arg7[%dma_wait3A_253] : memref<256xi32, #tpu.memory_space<vmem>> -> memref<32xi32, #tpu.memory_space<vmem>>
    %dma_wait3A_255 = arith.constant 0 : i32
    %dma_wait3A_256 = arith.constant 0 : i32
    %dma_wait3A_257 = tpu.memref_slice %arg2[%dma_wait3A_255, %dma_wait3A_256] : memref<100000x1024xf32, #tpu.memory_space<hbm>> -> memref<100000x1024xf32, #tpu.memory_space<hbm>>
    tpu.wait_indirect_dma semaphore(%arg14 : memref<!tpu.dma_semaphore, #tpu.memory_space<semaphore_mem>>) src(%dma_wait3A_257 : memref<100000x1024xf32, #tpu.memory_space<hbm>>) dst(%arg10 : memref<32x1024xf32, #tpu.memory_space<vmem>>)
    %dma_start3A_258 = arith.constant 7 : i32
    %dma_start3A_259 = arith.constant 0 : i32
    %dma_start3A_260 = tpu.memref_slice %arg8[%dma_start3A_258, %dma_start3A_259] : memref<8x32xi32, #tpu.memory_space<vmem>> -> memref<1x32xi32, #tpu.memory_space<vmem>>
    %dma_start3A_261 = tpu.memref_squeeze %dma_start3A_260 : memref<1x32xi32, #tpu.memory_space<vmem>> -> memref<32xi32, #tpu.memory_space<vmem>>
    %dma_start3A_262 = arith.constant 0 : i32
    %dma_start3A_263 = arith.constant 0 : i32
    %dma_start3A_264 = tpu.memref_slice %arg6[%select_n3A, %dma_start3A_262, %dma_start3A_263] : memref<4x2064x1024xf32, #tpu.memory_space<hbm>> -> memref<1x2064x1024xf32, #tpu.memory_space<hbm>>
    %dma_start3A_265 = tpu.memref_squeeze %dma_start3A_264 : memref<1x2064x1024xf32, #tpu.memory_space<hbm>> -> memref<2064x1024xf32, #tpu.memory_space<hbm>>
    %dma_start3A_266 = arith.constant 0 : i32
    %dma_start3A_267 = arith.constant 0 : i32
    %dma_start3A_268 = tpu.memref_slice %dma_start3A_265[%dma_start3A_266, %dma_start3A_267] : memref<2064x1024xf32, #tpu.memory_space<hbm>> -> memref<2064x1024xf32, #tpu.memory_space<hbm>>
    tpu.enqueue_indirect_dma source(%arg10 : memref<32x1024xf32, #tpu.memory_space<vmem>>) target(%dma_start3A_268 : memref<2064x1024xf32, #tpu.memory_space<hbm>>) offsets(%dma_start3A_261 : memref<32xi32, #tpu.memory_space<vmem>>) semaphore(%arg17 : memref<!tpu.dma_semaphore, #tpu.memory_space<semaphore_mem>>)
    %dma_wait3A_269 = arith.constant 5 : i32
    %dma_wait3A_270 = arith.constant 0 : i32
    %dma_wait3A_271 = tpu.memref_slice %arg8[%dma_wait3A_269, %dma_wait3A_270] : memref<8x32xi32, #tpu.memory_space<vmem>> -> memref<1x32xi32, #tpu.memory_space<vmem>>
    %dma_wait3A_272 = tpu.memref_squeeze %dma_wait3A_271 : memref<1x32xi32, #tpu.memory_space<vmem>> -> memref<32xi32, #tpu.memory_space<vmem>>
    %dma_wait3A_273 = arith.constant 0 : i32
    %dma_wait3A_274 = arith.constant 0 : i32
    %dma_wait3A_275 = tpu.memref_slice %arg6[%select_n3A, %dma_wait3A_273, %dma_wait3A_274] : memref<4x2064x1024xf32, #tpu.memory_space<hbm>> -> memref<1x2064x1024xf32, #tpu.memory_space<hbm>>
    %dma_wait3A_276 = tpu.memref_squeeze %dma_wait3A_275 : memref<1x2064x1024xf32, #tpu.memory_space<hbm>> -> memref<2064x1024xf32, #tpu.memory_space<hbm>>
    %dma_wait3A_277 = arith.constant 0 : i32
    %dma_wait3A_278 = arith.constant 0 : i32
    %dma_wait3A_279 = tpu.memref_slice %dma_wait3A_276[%dma_wait3A_277, %dma_wait3A_278] : memref<2064x1024xf32, #tpu.memory_space<hbm>> -> memref<2064x1024xf32, #tpu.memory_space<hbm>>
    tpu.wait_indirect_dma semaphore(%arg18 : memref<!tpu.dma_semaphore, #tpu.memory_space<semaphore_mem>>) src(%arg11 : memref<32x1024xf32, #tpu.memory_space<vmem>>) dst(%dma_wait3A_279 : memref<2064x1024xf32, #tpu.memory_space<hbm>>)
    %dma_wait3A_280 = arith.constant 6 : i32
    %dma_wait3A_281 = arith.constant 0 : i32
    %dma_wait3A_282 = tpu.memref_slice %arg8[%dma_wait3A_280, %dma_wait3A_281] : memref<8x32xi32, #tpu.memory_space<vmem>> -> memref<1x32xi32, #tpu.memory_space<vmem>>
    %dma_wait3A_283 = tpu.memref_squeeze %dma_wait3A_282 : memref<1x32xi32, #tpu.memory_space<vmem>> -> memref<32xi32, #tpu.memory_space<vmem>>
    %dma_wait3A_284 = arith.constant 0 : i32
    %dma_wait3A_285 = arith.constant 0 : i32
    %dma_wait3A_286 = tpu.memref_slice %arg6[%select_n3A, %dma_wait3A_284, %dma_wait3A_285] : memref<4x2064x1024xf32, #tpu.memory_space<hbm>> -> memref<1x2064x1024xf32, #tpu.memory_space<hbm>>
    %dma_wait3A_287 = tpu.memref_squeeze %dma_wait3A_286 : memref<1x2064x1024xf32, #tpu.memory_space<hbm>> -> memref<2064x1024xf32, #tpu.memory_space<hbm>>
    %dma_wait3A_288 = arith.constant 0 : i32
    %dma_wait3A_289 = arith.constant 0 : i32
    %dma_wait3A_290 = tpu.memref_slice %dma_wait3A_287[%dma_wait3A_288, %dma_wait3A_289] : memref<2064x1024xf32, #tpu.memory_space<hbm>> -> memref<2064x1024xf32, #tpu.memory_space<hbm>>
    tpu.wait_indirect_dma semaphore(%arg16 : memref<!tpu.dma_semaphore, #tpu.memory_space<semaphore_mem>>) src(%arg9 : memref<32x1024xf32, #tpu.memory_space<vmem>>) dst(%dma_wait3A_290 : memref<2064x1024xf32, #tpu.memory_space<hbm>>)
    %dma_wait3A_291 = arith.constant 7 : i32
    %dma_wait3A_292 = arith.constant 0 : i32
    %dma_wait3A_293 = tpu.memref_slice %arg8[%dma_wait3A_291, %dma_wait3A_292] : memref<8x32xi32, #tpu.memory_space<vmem>> -> memref<1x32xi32, #tpu.memory_space<vmem>>
    %dma_wait3A_294 = tpu.memref_squeeze %dma_wait3A_293 : memref<1x32xi32, #tpu.memory_space<vmem>> -> memref<32xi32, #tpu.memory_space<vmem>>
    %dma_wait3A_295 = arith.constant 0 : i32
    %dma_wait3A_296 = arith.constant 0 : i32
    %dma_wait3A_297 = tpu.memref_slice %arg6[%select_n3A, %dma_wait3A_295, %dma_wait3A_296] : memref<4x2064x1024xf32, #tpu.memory_space<hbm>> -> memref<1x2064x1024xf32, #tpu.memory_space<hbm>>
    %dma_wait3A_298 = tpu.memref_squeeze %dma_wait3A_297 : memref<1x2064x1024xf32, #tpu.memory_space<hbm>> -> memref<2064x1024xf32, #tpu.memory_space<hbm>>
    %dma_wait3A_299 = arith.constant 0 : i32
    %dma_wait3A_300 = arith.constant 0 : i32
    %dma_wait3A_301 = tpu.memref_slice %dma_wait3A_298[%dma_wait3A_299, %dma_wait3A_300] : memref<2064x1024xf32, #tpu.memory_space<hbm>> -> memref<2064x1024xf32, #tpu.memory_space<hbm>>
    tpu.wait_indirect_dma semaphore(%arg17 : memref<!tpu.dma_semaphore, #tpu.memory_space<semaphore_mem>>) src(%arg10 : memref<32x1024xf32, #tpu.memory_space<vmem>>) dst(%dma_wait3A_301 : memref<2064x1024xf32, #tpu.memory_space<hbm>>)
    %convert_element_type3A_302 = arith.extui %eq3A_34 : i1 to i32
    %cond3A_303 = arith.constant 0 : i32
    %cond3A_304 = arith.cmpi ne, %convert_element_type3A_302, %cond3A_303 : i32
    scf.if %cond3A_304 {
      %dma_wait3A_305 = arith.constant 0 : i32
      %dma_wait3A_306 = arith.constant 0 : i32
      %dma_wait3A_307 = tpu.memref_slice %arg6[%select_n3A, %dma_wait3A_305, %dma_wait3A_306] : memref<4x2064x1024xf32, #tpu.memory_space<hbm>> -> memref<1x2064x1024xf32, #tpu.memory_space<hbm>>
      %dma_wait3A_308 = tpu.memref_squeeze %dma_wait3A_307 : memref<1x2064x1024xf32, #tpu.memory_space<hbm>> -> memref<2064x1024xf32, #tpu.memory_space<hbm>>
      %dma_wait3A_309 = arith.constant 0 : i32
      %dma_wait3A_310 = arith.constant 0 : i32
      %dma_wait3A_311 = tpu.memref_slice %dma_wait3A_308[%dma_wait3A_309, %dma_wait3A_310] : memref<2064x1024xf32, #tpu.memory_space<hbm>> -> memref<2064x1024xf32, #tpu.memory_space<hbm>>
      tpu.wait_indirect_dma semaphore(%arg19 : memref<!tpu.dma_semaphore, #tpu.memory_space<semaphore_mem>>) src(%arg12 : memref<16x1024xf32, #tpu.memory_space<vmem>>) dst(%dma_wait3A_311 : memref<2064x1024xf32, #tpu.memory_space<hbm>>)
    } else {
    }
    return
  }
}

</mosaic_0001>

<sc_bundles>
// kernel: kernel.3.cloned.1.call-start
scs
__scs_entry_jumppad:
0x0: {  	(pc) =	sbr.rel $0x88, $3  }
0x1: {  	(tag) =	ssettag $0x0;
	lr =	simm.s32 $0x1  }
0x2: {  	[smem:$0x3F9E] =	sst lr;
	_ =	strace $0xD0000000  }
0x3: {  	_ = 	snop  }
0x4: {  	_ = 	snop  }
0x5: {  	_ = 	snop  }
0x6: {  	_ = 	snop  }
0x7: {  	_ = 	snop  }
__scs_overlays_trampoline_lowered:
0x8: {  	[smem:$0x3FAD] =	sst s0  }
0x9: {  	[smem:$0x3FAE] =	sst s1  }
0xa: {  	[smem:$0x3FAF] =	sst s2  }
0xb: {  	[smem:$0x3FB0] =	sst s3  }
0xc: {  	[smem:$0x3FB1] =	sst s4  }
0xd: {  	[smem:$0x3FB2] =	sst s5  }
0xe: {  	[smem:$0x3FB3] =	sst s6  }
0xf: {  	[smem:$0x3FB4] =	sst s7  }
0x10: {  	[smem:$0x3FB5] =	sst s8  }
0x11: {  	[smem:$0x3FB6] =	sst s9;
	s0 =	simm.s32 @!p0 $0x0  }
0x12: {  	s1 =	sld [smem:$0x3F9C];
	s0 =	simm.s32 @p0 $0x1  }
0x13: {  	[smem:$0x3FB7] =	sst s0;
	s0 =	simm.s32 @!p1 $0x0  }
0x14: {  	s2 =	sld [smem:$0x3F9B];
	s0 =	simm.s32 @p1 $0x1  }
0x15: {  	[smem:$0x3FB8] =	sst s0;
	s0 =	simm.s32 @!p2 $0x0  }
0x16: {  	s3 =	sld [smem:$0x3FDB];
	s0 =	simm.s32 @p2 $0x1  }
0x17: {  	s4 =	simm.s32 $0x1BF5;
	[smem:$0x3FBA] =	sst s0  }
0x18: {  	s0 =	sld [smem:$0x3F9D];
	_ =	swait.ge [sflag:s4], $0x0  }
0x19: {  	s7 =	sld [smem:$0x3F9E]  }
0x1a: {  	s8 =	sadd.s32 $0xFFFFE003, lr  }
0x1b: {  	s9 =	sadd.s32 $0xFFFFFEF7, lr;
	s5 =	simm.s32 $0xFFFFFFFF;
	p2 =	slt.u32 s8, $0xFFFFF086  }
0x1c: {  	p1 =	slt.u32 s9, $0xF7A;
	s5 =	simm.s32 @!p2 $0x0  }
0x1d: {  	s5 =	simm.s32 @p1 $0x1;
	p0 =	seq.s32 s7, s2  }
0x1e: {  	s7 =	smul.u32 @!p0 $0xF7A, s2;
	p2 =	seq.s32 @!p0 s5, $0x0  }
0x1f: {  	s9 =	smul.u32 $0xF7A, s1;
	s8 =	simm.s32 @!p0 $0x1BF5;
	p2 =	por !p2, p0  }
0x20: {  	[sflag:s8] =	ssyncset.s32 @!p0 $0xFFFFF086;
	s6 =	sadd.s32 @!p0 s3, s7;
	s7 =	simm.s32 @!p0 $0x108  }
0x21: {  	s3 =	sadd.s32 s3, s9;
	s6 =	sadd.s32 @!p0 $0x88, s6;
	s7 =	simm.s32 @p2 $0x1082  }
0x22: {  	[simem:s7], [sflag:s8] =	dma.local @!p0 [hbm:s6], $0xF7A  }
0x23: {  	s9 =	sor.u32 $0xD0000000, s2;
	s6 =	simm.s32 $0x108;
	_ =	swait.ge @!p0 [sflag:s8], $0x0  }
0x24: {  	s3 =	sadd.s32 $0x88, s3;
	s6 =	simm.s32 @!p1 $0x1082;
	[sflag:s4] =	ssyncset.s32 $0xFFFFF086  }
0x25: {  	[simem:s6], [sflag:s4] =	dma.local [hbm:s3], $0xF7A  }
0x26: {  	[smem:$0x3F9E] =	sst s1;
	(tag) =	ssettag s2;
	_ =	strace s9  }
0x27: {  	s1 =	sld [smem:$0x3FAE]  }
0x28: {  	s2 =	sld [smem:$0x3FAF]  }
0x29: {  	s4 =	sld [smem:$0x3FB1]  }
0x2a: {  	p0 =	seq.s32 s5, $0x0;
	s5 =	sld [smem:$0x3FB2]  }
0x2b: {  	s6 =	sld [smem:$0x3FB3]  }
0x2c: {  	s7 =	sld [smem:$0x3FB4]  }
0x2d: {  	s3 =	simm.s32 $0x108;
	s8 =	sld [smem:$0x3FB5]  }
0x2e: {  	s3 =	simm.s32 @!p0 $0x1082;
	s9 =	sld [smem:$0x3FB6]  }
0x2f: {  	lr =	sadd.s32 s0, s3;
	s0 =	sld [smem:$0x3FAD]  }
0x30: {  	s3 =	sld [smem:$0x3FB0]  }
0x31: {  	[smem:$0x3FB9] =	sst s10  }
0x32: {  	s10 =	sld [smem:$0x3FB7];
	_ =	sdelay $0x3  }
0x33: {  	p0 =	seq.s32 s10, $0x1;
	s10 =	sld [smem:$0x3FB9];
	_ =	sdelay $0x3  }
0x34: {  	[smem:$0x3FB9] =	sst s10  }
0x35: {  	s10 =	sld [smem:$0x3FB8];
	_ =	sdelay $0x3  }
0x36: {  	p1 =	seq.s32 s10, $0x1;
	s10 =	sld [smem:$0x3FB9];
	_ =	sdelay $0x3  }
0x37: {  	[smem:$0x3FB9] =	sst s10  }
0x38: {  	s10 =	sld [smem:$0x3FBA]  }
0x39: {  	_ = 	snop;
	(pc) =	sbr.ind lr, $3  }
0x3a: {  	_ = 	snop  }
0x3b: {  	_ = 	snop  }
0x3c: {  	p2 =	seq.s32 s10, $0x1;
	s10 =	sld [smem:$0x3FB9]  }
0x3d: {  	_ =	shalt  }
0x3e: {  	_ =	shalt  }
0x3f: {  	_ =	shalt  }
0x40: {  	_ =	shalt  }
0x41: {  	_ =	shalt  }
0x42: {  	_ =	shalt  }
0x43: {  	_ =	shalt  }
0x44: {  	_ =	shalt  }
0x45: {  	_ =	shalt  }
0x46: {  	_ =	shalt  }
0x47: {  	_ =	shalt  }
0x48: {  	_ =	shalt  }
0x49: {  	_ =	shalt  }
0x4a: {  	_ =	shalt  }
0x4b: {  	_ =	shalt  }
0x4c: {  	_ =	shalt  }
0x4d: {  	_ =	shalt  }
0x4e: {  	_ =	shalt  }
0x4f: {  	_ =	shalt  }
0x50: {  	_ =	shalt  }
0x51: {  	_ =	shalt  }
0x52: {  	_ =	shalt  }
0x53: {  	_ =	shalt  }
0x54: {  	_ =	shalt  }
0x55: {  	_ =	shalt  }
0x56: {  	_ =	shalt  }
0x57: {  	_ =	shalt  }
0x58: {  	_ =	shalt  }
0x59: {  	_ =	shalt  }
0x5a: {  	_ =	shalt  }
0x5b: {  	_ =	shalt  }
0x5c: {  	_ =	shalt  }
0x5d: {  	_ =	shalt  }
0x5e: {  	_ =	shalt  }
0x5f: {  	_ =	shalt  }
0x60: {  	_ =	shalt  }
0x61: {  	_ =	shalt  }
0x62: {  	_ =	shalt  }
0x63: {  	_ =	shalt  }
0x64: {  	_ =	shalt  }
0x65: {  	_ =	shalt  }
0x66: {  	_ =	shalt  }
0x67: {  	_ =	shalt  }
0x68: {  	_ =	shalt  }
0x69: {  	_ =	shalt  }
0x6a: {  	_ =	shalt  }
0x6b: {  	_ =	shalt  }
0x6c: {  	_ =	shalt  }
0x6d: {  	_ =	shalt  }
0x6e: {  	_ =	shalt  }
0x6f: {  	_ =	shalt  }
0x70: {  	_ =	shalt  }
0x71: {  	_ =	shalt  }
0x72: {  	_ =	shalt  }
0x73: {  	_ =	shalt  }
0x74: {  	_ =	shalt  }
0x75: {  	_ =	shalt  }
0x76: {  	_ =	shalt  }
0x77: {  	_ =	shalt  }
0x78: {  	_ =	shalt  }
0x79: {  	_ =	shalt  }
0x7a: {  	_ =	shalt  }
0x7b: {  	_ =	shalt  }
0x7c: {  	_ =	shalt  }
0x7d: {  	_ =	shalt  }
0x7e: {  	_ =	shalt  }
0x7f: {  	_ =	shalt  }
0x80: {  	_ =	shalt  }
0x81: {  	_ =	shalt  }
0x82: {  	_ =	shalt  }
0x83: {  	_ =	shalt  }
0x84: {  	_ =	shalt  }
0x85: {  	_ =	shalt  }
0x86: {  	_ =	shalt  }
0x87: {  	_ =	shalt  }
.Lfunc_end0:
.L_simem_size_0:
called_computation.1_lowered:
.L_overlay_start_0:
0x88: {  	s2 =	sld [smem:$0x3FD9]  }
0x89: {  	s3 =	sld [smem:$0x3FFE];
	_ =	sdelay $0x1  }
0x8a: {  	s1 =	srdreg.scid  }
0x8b: {  	s0 =	sand.u32 $0x1, s1  }
0x8c: {  	s17 =	sshll.u32 s0, $0xA;
	s2 =	sadd.s32 s3, s2  }
0x8d: {  	s2 =	sadd.s32 s2, s17  }
0x8e: {  	[smem:$0x3FC5] =	sst s2  }
0x8f: {  	_ = 	snop  }
0x90: {  	s2 =	sld [smem:$0x3FC8]  }
0x91: {  	s18 =	sld [smem:$0x3FC7]  }
0x92: {  	s4 =	sld [smem:$0x3FD0];
	(tm) =	ssettm $0x1  }
0x93: {  	s5 =	sld [smem:$0x3FFB];
	_ =	sdelay $0x3  }
0x94: {  	_ =	strace s5  }
0x95: {  	s5 =	sld [smem:$0x3FFC];
	_ =	sdelay $0x3  }
0x96: {  	_ =	strace s5  }
0x97: {  	s5 =	sld [smem:$0x3FFD];
	_ =	sdelay $0x3  }
0x98: {  	_ =	strace s5  }
0x99: {  	_ =	strace $0x8FFFFFFF  }
0x9a: {  	s19 =	sld [smem:$0x3FDB];
	_ =	sdelay $0x1  }
0x9b: {  	s6 =	simm.s32 $_scs_section_size  }
0x9c: {  	s7 =	simm.s32 $_size__tile_overlayer_lowered;
	s8 =	simm.s32 $_tile_overlayer_lowered  }
0x9d: {  	s22 =	simm.s32 $0x1BFF;
	s21 =	sshll.u32 s8, $0x1;
	s5 =	sadd.s32 s6, s19  }
0x9e: {  	s9 =	simm.s32 $0x0;
	s20 =	sshll.u32 s7, $0x1;
	s7 =	sadd.s32 s21, s5  }
0x9f: {  	[timem:s9], [sflag:s22] =	dma.local [hbm:s7], s20  }
0xa0: {  	_ =	swait.ge [sflag:s22], s20  }
0xa1: {  	s6 =	ssub.s32 $0x0, s20;
	[sflag:s22] =	ssyncset.done $0x0  }
0xa2: {  	[sflag:s22] =	ssyncadd.s32 s6;
	_ =	sdelay $0x1  }
0xa3: {  	s23 =	simm.s32 $0x1B8B  }
0xa4: {  	_ =	swait.ge [sflag:s23], $0x1  }
0xa5: {  	[sflag:s23] =	ssyncset.done $0x0  }
0xa6: {  	s25 =	simm.s32 $0x1B8E;
	s24 =	sld [smem:$0x3FFE];
	[sflag:s23] =	ssyncadd.s32 $0xFFFFFFFF  }
0xa7: {  	s26 =	simm.s32 $execute0_lowered;
	[smem:$0x3FD2] =	sst s25  }
0xa8: {  	s7 =	sshll.u32 s26, $0x1;
	_ =	strace $0x80000046;
	[dreg:$0x1] =	wrdreg $0xFFFFFFFF  }
0xa9: {  	s28 =	simm.s32 $_size_execute0_lowered;
	s5 =	sadd.s32 s5, s7;
	[dreg:$0x0] =	wrdreg $0x0  }
0xaa: {  	s7 =	sshll.u32 s28, $0x1;
	[dreg:$0x2] =	wrdreg s5  }
0xab: {  	[dreg:$0x3] =	wrdreg s7  }
0xac: {  	[dreg:$0x4] =	wrdreg $0xC0  }
0xad: {  	_ =	task [dreg:s9], $0x5FFFF  }
0xae: {  	[dreg:$0x1] =	wrdreg $0xFFFFFFFF  }
0xaf: {  	[dreg:$0x0] =	wrdreg $0x60  }
0xb0: {  	[dreg:$0x2] =	wrdreg s2  }
0xb1: {  	[dreg:$0x3] =	wrdreg s24  }
0xb2: {  	[dreg:$0x4] =	wrdreg s18  }
0xb3: {  	[dreg:$0x5] =	wrdreg s4  }
0xb4: {  	[dreg:$0x6] =	wrdreg $0x9  }
0xb5: {  	_ =	task.clear_ibuf [dreg:s9], $0x7FFFF;
	_ =	strace $0x90000046  }
0xb6: {  	s29 =	simm.s32 $0x9;
	_ =	strace $0x80000048  }
0xb7: {  	_ =	swait.ge [sflag:s29], $0x1  }
0xb8: {  	[sflag:s29] =	ssyncadd.s32 $0xFFFFFFFF  }
0xb9: {  	_ =	strace $0x90000048  }
0xba: {  	_ =	sfence  }
0xbb: {  	s30 =	sld [smem:$0x0];
	_ =	sdelay $0x2  }
0xbc: {  	s31 =	sshll.u32 s1, $0xD;
	s1 =	sshrl.u32 s1, $0x2  }
0xbd: {  	s3 =	sand.u32 $0x4000, s31;
	s1 =	sadd.s32 s1, s30  }
0xbe: {  	s0 =	sor.u32 s3, s0;
	s1 =	sshll.u32 s1, $0x11  }
0xbf: {  	s0 =	sor.u32 s1, s0  }
0xc0: {  	s0 =	sadd.s32 $0x8F2B, s0  }
0xc1: {  	[sflag:s0] =	ssyncadd.remote.s32 $0x1  }
0xc2: {  	_ =	sfence.sel $0xFFFF  }
0xc3: {  	[dreg:$0x0] =	wrdreg $0xFFFFFFFF;
	(pc) =	sbr.abs _section_cstart, $3  }
0xc4: {  	[dreg:$0x1] =	wrdreg $0xFFFFFFFF  }
0xc5: {  	_ =	task.clear_ibuf [dreg:s9], $0x2FFFF;
	_ =	strace $0x9FFFFFFF  }
0xc6: {  	(tm) =	ssettm $0x7FFFFFFF  }
0xc7: {  	_ =	shalt  }
tec
execute0_lowered:
.L_overlay_start_1:
0x0: {  	(tag) =	ssettag $0x1  }
0x1: {  	s1 =	rddreg [dreg:$0x0]  }
0x2: {  	s0 =	rddreg [dreg:$0x1]  }
0x3: {  	s9 =	rddreg [dreg:$0x2]  }
0x4: {  	s2 =	rddreg [dreg:$0x3];
	s4 =	simm.s32 $0x0;
	s3 =	srdreg.scid  }
0x5: {  	s6 =	stileid.u32;
	s31 =	simm.s32 $0x100;
	s23 =	simm.s32 $0x1  }
0x6: {  	s24 =	simm.s32 $0x2;
	[smem:$0x7FF] =	sst s4;
	s3 =	sand.u32 $0x1, s3  }
0x7: {  	s5 =	sshll.u32 s6, $0x1;
	s6 =	sshrl.u32 s6, $0x2;
	s28 =	sadd.s32 $0x100, s9  }
0x8: {  	s29 =	sadd.s32 $0x200, s9;
	_ =	strace $0x80000047;
	[dreg:$0x8] =	wrdreg s28  }
0x9: {  	s30 =	sadd.s32 $0x300, s9;
	s9 =	sadd.s32 $0x200, s1;
	[dreg:$0x9] =	wrdreg s29  }
0xa: {  	s10 =	sadd.s32 $0x300, s1;
	s5 =	sor.u32 s3, s5;
	[dreg:$0xa] =	wrdreg s30  }
0xb: {  	v2 =	vlaneseq.u32;
	s6 =	smul.u32 $0x40800, s6;
	s3 =	ssub.s32 $0x2, s3;
	[dreg:$0x7] =	wrdreg s31  }
0xc: {  	vm3 =	vmmov $0xffff;
	v1 =	vshrl.u32 v2, $0x3;
	s7 =	sshll.u32 s5, $0x5;
	s8 =	sshrl.u32 s3, $0x1;
	s26 =	sand.u32 $0x7, s5  }
0xd: {  	v0 =	vand.u32 $0x7, v2;
	v2 =	vor.u32 $0x8, v2;
	v1 =	vmul.u32 $0x8, v1;
	s5 =	sshll.u32 s5, $0x7;
	s7 =	sadd.s32 s7, s0;
	p0 =	sne.s32 s26, $0x0  }
0xe: {  	s0 =	sadd.s32 s6, s0;
	s3 =	ssub.s32 s3, s8;
	s2 =	sadd.s32 s2, s5;
	vm0 =	vcmask @!p0 $0x1F00;
	vm1 =	vcmask @!p0 $0x2320;
	vm2 =	vmmov @!p0 $0xffff  }
0xf: {  	s8 =	sadd.s32 $0x100, s1;
	s7 =	sadd.s32 $0x800, s7;
	[dreg:$0x6] =	wrdreg s2;
	vm4 =	vcmask @!p0 $0x2720;
	vm5 =	vcmask @!p0 $0x2B28;
	vm6 =	vcmask @!p0 $0x2F2C  }
0x10: {  	s11 =	sadd.s32 $0xC00, s0;
	s2 =	smax.u32 s3, $0x1;
	vm7 =	vcmask @!p0 $0x3330;
	vm8 =	vcmask @!p0 $0x3734;
	vm9 =	vcmask @!p0 $0x3B38;
	[dreg:$0x5] =	wrdreg s7  }
.LBB2_1:
0x11: {  	v3 =	vimm.s32 @!p0 $0x76543210  }
0x12: {  	v3 =	vunpack.c.l.s4.s8 @!p0 v3;
	_ =	sdelay $0x1  }
0x13: {  	v6 =	vunpack.c.0.s8.s32 @!p0 v3;
	_ =	sdelay $0x1  }
0x14: {  	v4 =	vlaneseq.u32 @!p0;
	v3 =	vnsel @!p0 vm0, $0x41, v6  }
0x15: {  	v5 =	vand.u32 @!p0 $0x7, v4;
	v7 =	vsel @!p0 vm1, $0x40, v3;
	v3 =	vshrl.u32 @!p0 v4, $0x3  }
0x16: {  	v8 =	vperm.xlane @!p0 v7, v5;
	v3 =	vmul.u32 @!p0 $0x8, v3;
	_ =	sdelay $0x1  }
0x17: {  	v8 =	vadd.s32 @!p0 v3, v8;
	_ =	sdelay $0x2  }
0x18: {  	[dreg:$0xb] =	wrdreg s2  }
0x19: {  	s0 =	simm.s32 @!p0 $0x0;
	s30 =	simm.s32 @!p0 $0x18500;
	s6 =	rddreg [dreg:$0x2]  }
0x1a: {  	v4 =	vor.u32 @!p0 $0x8, v4;
	[tilespmem:s30], [sflag:$0x7] =	stream.indirect_vreg.gather @!p0 [hbm4b:s6+s0], $0x80, v8, vm2, $0xb8;
	[tilespmem:$0x1C500] =	vst v63  }
0x1b: {  	s31 =	simm.s32 @!p0 $0x18D00;
	s7 =	rddreg [dreg:$0x8];
	v7 =	vperm.xlane @!p0 v7, v4  }
0x1c: {  	[tilespmem:s31], [sflag:$0x7] =	stream.indirect_vreg.gather @!p0 [hbm4b:s7+s0], $0x80, v8, vm2, $0xb8;
	[tilespmem:$0x1C500] =	vst v63  }
0x1d: {  	s3 =	simm.s32 @!p0 $0x19500;
	s13 =	rddreg [dreg:$0x9];
	v7 =	vadd.s32 @!p0 v3, v7  }
0x1e: {  	[tilespmem:s3], [sflag:$0x7] =	stream.indirect_vreg.gather @!p0 [hbm4b:s13+s0], $0x80, v8, vm2, $0xb8;
	[tilespmem:$0x1C500] =	vst v63  }
0x1f: {  	s2 =	simm.s32 @!p0 $0x19D00;
	s14 =	rddreg [dreg:$0xa]  }
0x20: {  	[tilespmem:s2], [sflag:$0x7] =	stream.indirect_vreg.gather @!p0 [hbm4b:s14+s0], $0x80, v8, vm2, $0xb8;
	[tilespmem:$0x1C500] =	vst v63  }
0x21: {  	s5 =	simm.s32 @!p0 $0x1A500  }
0x22: {  	[tilespmem:s5], [sflag:$0x7] =	stream.indirect_vreg.gather @!p0 [hbm4b:s6+s0], $0x80, v7, vm2, $0xb8;
	[tilespmem:$0x1C500] =	vst v63  }
0x23: {  	s6 =	simm.s32 @!p0 $0x1AD00  }
0x24: {  	[tilespmem:s6], [sflag:$0x7] =	stream.indirect_vreg.gather @!p0 [hbm4b:s7+s0], $0x80, v7, vm2, $0xb8;
	[tilespmem:$0x1C500] =	vst v63  }
0x25: {  	s7 =	simm.s32 @!p0 $0x1B500  }
0x26: {  	[tilespmem:s7], [sflag:$0x7] =	stream.indirect_vreg.gather @!p0 [hbm4b:s13+s0], $0x80, v7, vm2, $0xb8;
	[tilespmem:$0x1C500] =	vst v63  }
0x27: {  	s13 =	simm.s32 @!p0 $0x1BD00  }
0x28: {  	[tilespmem:s13], [sflag:$0x7] =	stream.indirect_vreg.gather @!p0 [hbm4b:s14+s0], $0x80, v7, vm2, $0xb8;
	[tilespmem:$0x1C500] =	vst v63  }
0x29: {  	s29 =	rddreg [dreg:$0x5];
	s15 =	simm.s32 $0x8  }
0x2a: {  	[tilespmem:s4], [sflag:$0x8] =	stream.linear.gather [hbm4b:s29+s4], $0x100, $0x38;
	[tilespmem:$0x1C500] =	vst v63  }
0x2b: {  	_ =	swait.ge [sflag:s15], $0x100  }
0x2c: {  	[sflag:s15] =	ssyncset.done $0x0  }
0x2d: {  	[sflag:s15] =	ssyncadd.s32 $0xFFFFFF00  }
0x2e: {  	v31 =	vld [tilespmem:$0x0];
	_ =	sdelay $0x4  }
0x2f: {  	v32 =	vshll.u32 v31, $0x3  }
0x30: {  	v7 =	vand.u32 $0x7, v31;
	v8 =	vand.u32 $0xFFFFFFC0, v32  }
0x31: {  	v7 =	vor.u32 v7, v8  }
0x32: {  	v8 =	vperm.xlane v7, v0;
	_ =	sdelay $0x1  }
0x33: {  	v8 =	vadd.s32 v1, v8;
	_ =	sdelay $0x3  }
0x34: {  	s12 =	simm.s32 $0x500  }
0x35: {  	[tilespmem:s12], [sflag:$0x1] =	stream.indirect_vreg.gather [hbm4b:s1+s4], $0x80, v8, vm3, $0xb8;
	[tilespmem:$0x1C500] =	vst v63  }
0x36: {  	s28 =	simm.s32 $0xD00;
	v7 =	vperm.xlane v7, v2  }
0x37: {  	[tilespmem:s28], [sflag:$0x1] =	stream.indirect_vreg.gather [hbm4b:s8+s4], $0x80, v8, vm3, $0xb8;
	[tilespmem:$0x1C500] =	vst v63  }
0x38: {  	s29 =	simm.s32 $0x1500;
	v7 =	vadd.s32 v1, v7  }
0x39: {  	[tilespmem:s29], [sflag:$0x1] =	stream.indirect_vreg.gather [hbm4b:s9+s4], $0x80, v8, vm3, $0xb8;
	[tilespmem:$0x1C500] =	vst v63  }
0x3a: {  	s14 =	simm.s32 $0x1D00  }
0x3b: {  	[tilespmem:s14], [sflag:$0x1] =	stream.indirect_vreg.gather [hbm4b:s10+s4], $0x80, v8, vm3, $0xb8;
	[tilespmem:$0x1C500] =	vst v63  }
0x3c: {  	s16 =	simm.s32 $0x2500  }
0x3d: {  	[tilespmem:s16], [sflag:$0x1] =	stream.indirect_vreg.gather [hbm4b:s1+s4], $0x80, v7, vm3, $0xb8;
	[tilespmem:$0x1C500] =	vst v63  }
0x3e: {  	s17 =	simm.s32 $0x2D00  }
0x3f: {  	[tilespmem:s17], [sflag:$0x1] =	stream.indirect_vreg.gather [hbm4b:s8+s4], $0x80, v7, vm3, $0xb8;
	[tilespmem:$0x1C500] =	vst v63  }
0x40: {  	s18 =	simm.s32 $0x3500  }
0x41: {  	[tilespmem:s18], [sflag:$0x1] =	stream.indirect_vreg.gather [hbm4b:s9+s4], $0x80, v7, vm3, $0xb8;
	[tilespmem:$0x1C500] =	vst v63  }
0x42: {  	s19 =	simm.s32 $0x3D00  }
0x43: {  	[tilespmem:s19], [sflag:$0x1] =	stream.indirect_vreg.gather [hbm4b:s10+s4], $0x80, v7, vm3, $0xb8;
	[tilespmem:$0x1C500] =	vst v63  }
0x44: {  	v7 =	vld [tilespmem:$0x10];
	_ =	sdelay $0x4  }
0x45: {  	v33 =	vshll.u32 v7, $0x3  }
0x46: {  	v7 =	vand.u32 $0x7, v7;
	v8 =	vand.u32 $0xFFFFFFC0, v33  }
0x47: {  	v7 =	vor.u32 v7, v8  }
0x48: {  	v8 =	vperm.xlane v7, v0;
	_ =	sdelay $0x1  }
0x49: {  	v8 =	vadd.s32 v1, v8;
	_ =	sdelay $0x3  }
0x4a: {  	s20 =	simm.s32 $0x4500  }
0x4b: {  	[tilespmem:s20], [sflag:$0x1] =	stream.indirect_vreg.gather [hbm4b:s1+s4], $0x80, v8, vm3, $0xb8;
	[tilespmem:$0x1C500] =	vst v63  }
0x4c: {  	s21 =	simm.s32 $0x4D00;
	v7 =	vperm.xlane v7, v2  }
0x4d: {  	[tilespmem:s21], [sflag:$0x1] =	stream.indirect_vreg.gather [hbm4b:s8+s4], $0x80, v8, vm3, $0xb8;
	[tilespmem:$0x1C500] =	vst v63  }
0x4e: {  	s22 =	simm.s32 $0x5500;
	v7 =	vadd.s32 v1, v7  }
0x4f: {  	[tilespmem:s22], [sflag:$0x1] =	stream.indirect_vreg.gather [hbm4b:s9+s4], $0x80, v8, vm3, $0xb8;
	[tilespmem:$0x1C500] =	vst v63  }
0x50: {  	s25 =	simm.s32 $0x5D00  }
0x51: {  	[tilespmem:s25], [sflag:$0x1] =	stream.indirect_vreg.gather [hbm4b:s10+s4], $0x80, v8, vm3, $0xb8;
	[tilespmem:$0x1C500] =	vst v63  }
0x52: {  	s26 =	simm.s32 $0x6500  }
0x53: {  	[tilespmem:s26], [sflag:$0x1] =	stream.indirect_vreg.gather [hbm4b:s1+s4], $0x80, v7, vm3, $0xb8;
	[tilespmem:$0x1C500] =	vst v63  }
0x54: {  	s28 =	simm.s32 $0x6D00  }
0x55: {  	[tilespmem:s28], [sflag:$0x1] =	stream.indirect_vreg.gather [hbm4b:s8+s4], $0x80, v7, vm3, $0xb8;
	[tilespmem:$0x1C500] =	vst v63  }
0x56: {  	s29 =	simm.s32 $0x7500  }
0x57: {  	[tilespmem:s29], [sflag:$0x1] =	stream.indirect_vreg.gather [hbm4b:s9+s4], $0x80, v7, vm3, $0xb8;
	[tilespmem:$0x1C500] =	vst v63  }
0x58: {  	s14 =	simm.s32 $0x7D00  }
0x59: {  	[tilespmem:s14], [sflag:$0x1] =	stream.indirect_vreg.gather [hbm4b:s10+s4], $0x80, v7, vm3, $0xb8;
	[tilespmem:$0x1C500] =	vst v63  }
0x5a: {  	v7 =	vld [tilespmem:$0x20];
	_ =	sdelay $0x4  }
0x5b: {  	v34 =	vshll.u32 v7, $0x3  }
0x5c: {  	v7 =	vand.u32 $0x7, v7;
	v8 =	vand.u32 $0xFFFFFFC0, v34  }
0x5d: {  	v7 =	vor.u32 v7, v8  }
0x5e: {  	v8 =	vperm.xlane v7, v0;
	_ =	sdelay $0x1  }
0x5f: {  	v8 =	vadd.s32 v1, v8;
	_ =	sdelay $0x3  }
0x60: {  	s16 =	simm.s32 $0x8500  }
0x61: {  	[tilespmem:s16], [sflag:$0x2] =	stream.indirect_vreg.gather [hbm4b:s1+s4], $0x80, v8, vm3, $0xb8;
	[tilespmem:$0x1C500] =	vst v63  }
0x62: {  	s17 =	simm.s32 $0x8D00;
	v7 =	vperm.xlane v7, v2  }
0x63: {  	[tilespmem:s17], [sflag:$0x2] =	stream.indirect_vreg.gather [hbm4b:s8+s4], $0x80, v8, vm3, $0xb8;
	[tilespmem:$0x1C500] =	vst v63  }
0x64: {  	s18 =	simm.s32 $0x9500;
	v7 =	vadd.s32 v1, v7  }
0x65: {  	[tilespmem:s18], [sflag:$0x2] =	stream.indirect_vreg.gather [hbm4b:s9+s4], $0x80, v8, vm3, $0xb8;
	[tilespmem:$0x1C500] =	vst v63  }
0x66: {  	s19 =	simm.s32 $0x9D00  }
0x67: {  	[tilespmem:s19], [sflag:$0x2] =	stream.indirect_vreg.gather [hbm4b:s10+s4], $0x80, v8, vm3, $0xb8;
	[tilespmem:$0x1C500] =	vst v63  }
0x68: {  	s20 =	simm.s32 $0xA500  }
0x69: {  	[tilespmem:s20], [sflag:$0x2] =	stream.indirect_vreg.gather [hbm4b:s1+s4], $0x80, v7, vm3, $0xb8;
	[tilespmem:$0x1C500] =	vst v63  }
0x6a: {  	s21 =	simm.s32 $0xAD00  }
0x6b: {  	[tilespmem:s21], [sflag:$0x2] =	stream.indirect_vreg.gather [hbm4b:s8+s4], $0x80, v7, vm3, $0xb8;
	[tilespmem:$0x1C500] =	vst v63  }
0x6c: {  	s22 =	simm.s32 $0xB500  }
0x6d: {  	[tilespmem:s22], [sflag:$0x2] =	stream.indirect_vreg.gather [hbm4b:s9+s4], $0x80, v7, vm3, $0xb8;
	[tilespmem:$0x1C500] =	vst v63  }
0x6e: {  	s25 =	simm.s32 $0xBD00  }
0x6f: {  	[tilespmem:s25], [sflag:$0x2] =	stream.indirect_vreg.gather [hbm4b:s10+s4], $0x80, v7, vm3, $0xb8;
	[tilespmem:$0x1C500] =	vst v63  }
0x70: {  	v7 =	vld [tilespmem:$0x30];
	_ =	sdelay $0x4  }
0x71: {  	v35 =	vshll.u32 v7, $0x3  }
0x72: {  	v7 =	vand.u32 $0x7, v7;
	v8 =	vand.u32 $0xFFFFFFC0, v35  }
0x73: {  	v7 =	vor.u32 v7, v8  }
0x74: {  	v8 =	vperm.xlane v7, v0;
	_ =	sdelay $0x1  }
0x75: {  	v8 =	vadd.s32 v1, v8;
	_ =	sdelay $0x3  }
0x76: {  	s26 =	simm.s32 $0xC500  }
0x77: {  	[tilespmem:s26], [sflag:$0x2] =	stream.indirect_vreg.gather [hbm4b:s1+s4], $0x80, v8, vm3, $0xb8;
	[tilespmem:$0x1C500] =	vst v63  }
0x78: {  	s28 =	simm.s32 $0xCD00;
	v7 =	vperm.xlane v7, v2  }
0x79: {  	[tilespmem:s28], [sflag:$0x2] =	stream.indirect_vreg.gather [hbm4b:s8+s4], $0x80, v8, vm3, $0xb8;
	[tilespmem:$0x1C500] =	vst v63  }
0x7a: {  	s29 =	simm.s32 $0xD500;
	v7 =	vadd.s32 v1, v7  }
0x7b: {  	[tilespmem:s29], [sflag:$0x2] =	stream.indirect_vreg.gather [hbm4b:s9+s4], $0x80, v8, vm3, $0xb8;
	[tilespmem:$0x1C500] =	vst v63  }
0x7c: {  	s12 =	simm.s32 $0xDD00  }
0x7d: {  	[tilespmem:s12], [sflag:$0x2] =	stream.indirect_vreg.gather [hbm4b:s10+s4], $0x80, v8, vm3, $0xb8;
	[tilespmem:$0x1C500] =	vst v63  }
0x7e: {  	s16 =	simm.s32 $0xE500  }
0x7f: {  	[tilespmem:s16], [sflag:$0x2] =	stream.indirect_vreg.gather [hbm4b:s1+s4], $0x80, v7, vm3, $0xb8;
	[tilespmem:$0x1C500] =	vst v63  }
0x80: {  	s17 =	simm.s32 $0xED00  }
0x81: {  	[tilespmem:s17], [sflag:$0x2] =	stream.indirect_vreg.gather [hbm4b:s8+s4], $0x80, v7, vm3, $0xb8;
	[tilespmem:$0x1C500] =	vst v63  }
0x82: {  	s18 =	simm.s32 $0xF500  }
0x83: {  	[tilespmem:s18], [sflag:$0x2] =	stream.indirect_vreg.gather [hbm4b:s9+s4], $0x80, v7, vm3, $0xb8;
	[tilespmem:$0x1C500] =	vst v63  }
0x84: {  	s19 =	simm.s32 $0xFD00  }
0x85: {  	[tilespmem:s19], [sflag:$0x2] =	stream.indirect_vreg.gather [hbm4b:s10+s4], $0x80, v7, vm3, $0xb8;
	[tilespmem:$0x1C500] =	vst v63  }
0x86: {  	v7 =	vld [tilespmem:$0x40];
	_ =	sdelay $0x4  }
0x87: {  	v36 =	vshll.u32 v7, $0x3  }
0x88: {  	v7 =	vand.u32 $0x7, v7;
	v8 =	vand.u32 $0xFFFFFFC0, v36  }
0x89: {  	v7 =	vor.u32 v7, v8  }
0x8a: {  	v8 =	vperm.xlane v7, v0;
	_ =	sdelay $0x1  }
0x8b: {  	v8 =	vadd.s32 v1, v8;
	_ =	sdelay $0x3  }
0x8c: {  	s20 =	simm.s32 $0x10500  }
0x8d: {  	[tilespmem:s20], [sflag:$0x3] =	stream.indirect_vreg.gather [hbm4b:s1+s4], $0x80, v8, vm3, $0xb8;
	[tilespmem:$0x1C500] =	vst v63  }
0x8e: {  	s21 =	simm.s32 $0x10D00;
	v7 =	vperm.xlane v7, v2  }
0x8f: {  	[tilespmem:s21], [sflag:$0x3] =	stream.indirect_vreg.gather [hbm4b:s8+s4], $0x80, v8, vm3, $0xb8;
	[tilespmem:$0x1C500] =	vst v63  }
0x90: {  	s22 =	simm.s32 $0x11500;
	v7 =	vadd.s32 v1, v7  }
0x91: {  	[tilespmem:s22], [sflag:$0x3] =	stream.indirect_vreg.gather [hbm4b:s9+s4], $0x80, v8, vm3, $0xb8;
	[tilespmem:$0x1C500] =	vst v63  }
0x92: {  	s25 =	simm.s32 $0x11D00  }
0x93: {  	[tilespmem:s25], [sflag:$0x3] =	stream.indirect_vreg.gather [hbm4b:s10+s4], $0x80, v8, vm3, $0xb8;
	[tilespmem:$0x1C500] =	vst v63  }
0x94: {  	s26 =	simm.s32 $0x12500  }
0x95: {  	[tilespmem:s26], [sflag:$0x3] =	stream.indirect_vreg.gather [hbm4b:s1+s4], $0x80, v7, vm3, $0xb8;
	[tilespmem:$0x1C500] =	vst v63  }
0x96: {  	s28 =	simm.s32 $0x12D00  }
0x97: {  	[tilespmem:s28], [sflag:$0x3] =	stream.indirect_vreg.gather [hbm4b:s8+s4], $0x80, v7, vm3, $0xb8;
	[tilespmem:$0x1C500] =	vst v63  }
0x98: {  	s29 =	simm.s32 $0x13500  }
0x99: {  	[tilespmem:s29], [sflag:$0x3] =	stream.indirect_vreg.gather [hbm4b:s9+s4], $0x80, v7, vm3, $0xb8;
	[tilespmem:$0x1C500] =	vst v63  }
0x9a: {  	s14 =	simm.s32 $0x13D00  }
0x9b: {  	[tilespmem:s14], [sflag:$0x3] =	stream.indirect_vreg.gather [hbm4b:s10+s4], $0x80, v7, vm3, $0xb8;
	[tilespmem:$0x1C500] =	vst v63  }
0x9c: {  	v7 =	vld [tilespmem:$0x50];
	_ =	sdelay $0x4  }
0x9d: {  	v37 =	vshll.u32 v7, $0x3  }
0x9e: {  	v7 =	vand.u32 $0x7, v7;
	v8 =	vand.u32 $0xFFFFFFC0, v37  }
0x9f: {  	v7 =	vor.u32 v7, v8  }
0xa0: {  	v8 =	vperm.xlane v7, v0;
	_ =	sdelay $0x1  }
0xa1: {  	v8 =	vadd.s32 v1, v8;
	_ =	sdelay $0x3  }
0xa2: {  	s16 =	simm.s32 $0x14500  }
0xa3: {  	[tilespmem:s16], [sflag:$0x3] =	stream.indirect_vreg.gather [hbm4b:s1+s4], $0x80, v8, vm3, $0xb8;
	[tilespmem:$0x1C500] =	vst v63  }
0xa4: {  	s17 =	simm.s32 $0x14D00;
	v7 =	vperm.xlane v7, v2  }
0xa5: {  	[tilespmem:s17], [sflag:$0x3] =	stream.indirect_vreg.gather [hbm4b:s8+s4], $0x80, v8, vm3, $0xb8;
	[tilespmem:$0x1C500] =	vst v63  }
0xa6: {  	s18 =	simm.s32 $0x15500;
	v7 =	vadd.s32 v1, v7  }
0xa7: {  	[tilespmem:s18], [sflag:$0x3] =	stream.indirect_vreg.gather [hbm4b:s9+s4], $0x80, v8, vm3, $0xb8;
	[tilespmem:$0x1C500] =	vst v63  }
0xa8: {  	s19 =	simm.s32 $0x15D00  }
0xa9: {  	[tilespmem:s19], [sflag:$0x3] =	stream.indirect_vreg.gather [hbm4b:s10+s4], $0x80, v8, vm3, $0xb8;
	[tilespmem:$0x1C500] =	vst v63  }
0xaa: {  	s20 =	simm.s32 $0x16500;
	v8 =	vimm.s32 @!p0 $0x4140  }
0xab: {  	v8 =	vunpack.c.0.s8.s32 @!p0 v8;
	[tilespmem:s20], [sflag:$0x3] =	stream.indirect_vreg.gather [hbm4b:s1+s4], $0x80, v7, vm3, $0xb8;
	[tilespmem:$0x1C500] =	vst v63  }
0xac: {  	v6 =	vnsel @!p0 vm0, $0x4047, v6;
	s21 =	simm.s32 $0x16D00  }
0xad: {  	v6 =	vsel @!p0 vm4, v8, v6;
	[tilespmem:s21], [sflag:$0x3] =	stream.indirect_vreg.gather [hbm4b:s8+s4], $0x80, v7, vm3, $0xb8;
	[tilespmem:$0x1C500] =	vst v63  }
0xae: {  	s22 =	simm.s32 $0x17500;
	v6 =	vsel @!p0 vm5, $0x4042, v6  }
0xaf: {  	v6 =	vsel @!p0 vm6, $0x4043, v6;
	[tilespmem:s22], [sflag:$0x3] =	stream.indirect_vreg.gather [hbm4b:s9+s4], $0x80, v7, vm3, $0xb8;
	[tilespmem:$0x1C500] =	vst v63  }
0xb0: {  	s25 =	rddreg [dreg:$0x6];
	s28 =	simm.s32 $0x17D00;
	v6 =	vsel @!p0 vm7, $0x4044, v6  }
0xb1: {  	v6 =	vsel @!p0 vm8, $0x4045, v6;
	[tilespmem:s28], [sflag:$0x3] =	stream.indirect_vreg.gather [hbm4b:s10+s4], $0x80, v7, vm3, $0xb8;
	[tilespmem:$0x1C500] =	vst v63  }
0xb2: {  	s26 =	rddreg [dreg:$0x7];
	v6 =	vsel @!p0 vm9, $0x4046, v6  }
0xb3: {  	v5 =	vperm.xlane @!p0 v6, v5;
	[tilespmem:s26], [sflag:$0x8] =	stream.linear.gather [hbm4b:s25+s4], $0x400, $0x38;
	[tilespmem:$0x1C500] =	vst v63  }
0xb4: {  	_ =	swait.ge [sflag:s15], $0x400  }
0xb5: {  	v5 =	vadd.s32 @!p0 v3, v5;
	[sflag:s15] =	ssyncset.done $0x0  }
0xb6: {  	s12 =	simm.s32 @!p0 $0x7;
	[sflag:s15] =	ssyncadd.s32 $0xFFFFFC00  }
0xb7: {  	_ =	swait.ge @!p0 [sflag:s12], $0x4000  }
0xb8: {  	[sflag:s12] =	ssyncset.done @!p0 $0x0  }
0xb9: {  	[sflag:s12] =	ssyncadd.s32 @!p0 $0xFFFFC000  }
0xba: {  	[hbm4b:s11+s0] =	stream.indirect_vreg.scatter @!p0 [tilespmem:s30], [sflag:$0x7], $0x80, v5, vm2, $0xb8;
	[tilespmem:$0x1C500] =	vst v63  }
0xbb: {  	s14 =	sadd.s32 @!p0 $0x100, s11;
	v4 =	vperm.xlane @!p0 v6, v4  }
0xbc: {  	[hbm4b:s14+s0] =	stream.indirect_vreg.scatter @!p0 [tilespmem:s31], [sflag:$0x7], $0x80, v5, vm2, $0xb8;
	[tilespmem:$0x1C500] =	vst v63  }
0xbd: {  	v3 =	vadd.s32 @!p0 v3, v4;
	s30 =	sadd.s32 @!p0 $0x200, s11  }
0xbe: {  	[hbm4b:s30+s0] =	stream.indirect_vreg.scatter @!p0 [tilespmem:s3], [sflag:$0x7], $0x80, v5, vm2, $0xb8;
	[tilespmem:$0x1C500] =	vst v63  }
0xbf: {  	s3 =	sadd.s32 @!p0 $0x300, s11  }
0xc0: {  	[hbm4b:s3+s0] =	stream.indirect_vreg.scatter @!p0 [tilespmem:s2], [sflag:$0x7], $0x80, v5, vm2, $0xb8;
	[tilespmem:$0x1C500] =	vst v63  }
0xc1: {  	_ = 	snop  }
0xc2: {  	[hbm4b:s11+s0] =	stream.indirect_vreg.scatter @!p0 [tilespmem:s5], [sflag:$0x7], $0x80, v3, vm2, $0xb8;
	[tilespmem:$0x1C500] =	vst v63  }
0xc3: {  	_ = 	snop  }
0xc4: {  	[hbm4b:s14+s0] =	stream.indirect_vreg.scatter @!p0 [tilespmem:s6], [sflag:$0x7], $0x80, v3, vm2, $0xb8;
	[tilespmem:$0x1C500] =	vst v63  }
0xc5: {  	_ = 	snop  }
0xc6: {  	[hbm4b:s30+s0] =	stream.indirect_vreg.scatter @!p0 [tilespmem:s7], [sflag:$0x7], $0x80, v3, vm2, $0xb8;
	[tilespmem:$0x1C500] =	vst v63  }
0xc7: {  	_ = 	snop  }
0xc8: {  	[hbm4b:s3+s0] =	stream.indirect_vreg.scatter @!p0 [tilespmem:s13], [sflag:$0x7], $0x80, v3, vm2, $0xb8;
	[tilespmem:$0x1C500] =	vst v63  }
0xc9: {  	_ =	swait.ge [sflag:s23], $0x8000  }
0xca: {  	[sflag:s23] =	ssyncset.done $0x0  }
0xcb: {  	[sflag:s23] =	ssyncadd.s32 $0xFFFF8000  }
0xcc: {  	v3 =	vld [tilespmem:$0x100];
	_ =	sdelay $0x4  }
0xcd: {  	v38 =	vshll.u32 v3, $0x3  }
0xce: {  	v3 =	vand.u32 $0x7, v3;
	v4 =	vand.u32 $0xFFFFFFC0, v38  }
0xcf: {  	v3 =	vor.u32 v3, v4  }
0xd0: {  	v4 =	vperm.xlane v3, v0;
	_ =	sdelay $0x1  }
0xd1: {  	v4 =	vadd.s32 v1, v4;
	_ =	sdelay $0x3  }
0xd2: {  	s22 =	simm.s32 $0x500  }
0xd3: {  	[hbm4b:s11+s4] =	stream.indirect_vreg.scatter [tilespmem:s22], [sflag:$0x4], $0x80, v4, vm3, $0xb8;
	[tilespmem:$0x1C500] =	vst v63  }
0xd4: {  	s21 =	simm.s32 $0xD00;
	s30 =	sadd.s32 $0x100, s11;
	v3 =	vperm.xlane v3, v2  }
0xd5: {  	[hbm4b:s30+s4] =	stream.indirect_vreg.scatter [tilespmem:s21], [sflag:$0x4], $0x80, v4, vm3, $0xb8;
	[tilespmem:$0x1C500] =	vst v63  }
0xd6: {  	s20 =	simm.s32 $0x1500;
	s31 =	sadd.s32 $0x200, s11;
	v3 =	vadd.s32 v1, v3  }
0xd7: {  	[hbm4b:s31+s4] =	stream.indirect_vreg.scatter [tilespmem:s20], [sflag:$0x4], $0x80, v4, vm3, $0xb8;
	[tilespmem:$0x1C500] =	vst v63  }
0xd8: {  	s12 =	simm.s32 $0x1D00;
	s0 =	sadd.s32 $0x300, s11  }
0xd9: {  	[hbm4b:s0+s4] =	stream.indirect_vreg.scatter [tilespmem:s12], [sflag:$0x4], $0x80, v4, vm3, $0xb8;
	[tilespmem:$0x1C500] =	vst v63  }
0xda: {  	s2 =	simm.s32 $0x2500  }
0xdb: {  	[hbm4b:s11+s4] =	stream.indirect_vreg.scatter [tilespmem:s2], [sflag:$0x4], $0x80, v3, vm3, $0xb8;
	[tilespmem:$0x1C500] =	vst v63  }
0xdc: {  	s3 =	simm.s32 $0x2D00  }
0xdd: {  	[hbm4b:s30+s4] =	stream.indirect_vreg.scatter [tilespmem:s3], [sflag:$0x4], $0x80, v3, vm3, $0xb8;
	[tilespmem:$0x1C500] =	vst v63  }
0xde: {  	s5 =	simm.s32 $0x3500  }
0xdf: {  	[hbm4b:s31+s4] =	stream.indirect_vreg.scatter [tilespmem:s5], [sflag:$0x4], $0x80, v3, vm3, $0xb8;
	[tilespmem:$0x1C500] =	vst v63  }
0xe0: {  	s16 =	simm.s32 $0x3D00  }
0xe1: {  	[hbm4b:s0+s4] =	stream.indirect_vreg.scatter [tilespmem:s16], [sflag:$0x4], $0x80, v3, vm3, $0xb8;
	[tilespmem:$0x1C500] =	vst v63  }
0xe2: {  	v3 =	vld [tilespmem:$0x110];
	_ =	sdelay $0x4  }
0xe3: {  	v39 =	vshll.u32 v3, $0x3  }
0xe4: {  	v3 =	vand.u32 $0x7, v3;
	v4 =	vand.u32 $0xFFFFFFC0, v39  }
0xe5: {  	v3 =	vor.u32 v3, v4  }
0xe6: {  	v4 =	vperm.xlane v3, v0;
	_ =	sdelay $0x1  }
0xe7: {  	v4 =	vadd.s32 v1, v4;
	_ =	sdelay $0x3  }
0xe8: {  	s17 =	simm.s32 $0x4500  }
0xe9: {  	[hbm4b:s11+s4] =	stream.indirect_vreg.scatter [tilespmem:s17], [sflag:$0x4], $0x80, v4, vm3, $0xb8;
	[tilespmem:$0x1C500] =	vst v63  }
0xea: {  	s18 =	simm.s32 $0x4D00;
	v3 =	vperm.xlane v3, v2  }
0xeb: {  	[hbm4b:s30+s4] =	stream.indirect_vreg.scatter [tilespmem:s18], [sflag:$0x4], $0x80, v4, vm3, $0xb8;
	[tilespmem:$0x1C500] =	vst v63  }
0xec: {  	s6 =	simm.s32 $0x5500;
	v3 =	vadd.s32 v1, v3  }
0xed: {  	[hbm4b:s31+s4] =	stream.indirect_vreg.scatter [tilespmem:s6], [sflag:$0x4], $0x80, v4, vm3, $0xb8;
	[tilespmem:$0x1C500] =	vst v63  }
0xee: {  	s7 =	simm.s32 $0x5D00  }
0xef: {  	[hbm4b:s0+s4] =	stream.indirect_vreg.scatter [tilespmem:s7], [sflag:$0x4], $0x80, v4, vm3, $0xb8;
	[tilespmem:$0x1C500] =	vst v63  }
0xf0: {  	s13 =	simm.s32 $0x6500  }
0xf1: {  	[hbm4b:s11+s4] =	stream.indirect_vreg.scatter [tilespmem:s13], [sflag:$0x4], $0x80, v3, vm3, $0xb8;
	[tilespmem:$0x1C500] =	vst v63  }
0xf2: {  	s14 =	simm.s32 $0x6D00  }
0xf3: {  	[hbm4b:s30+s4] =	stream.indirect_vreg.scatter [tilespmem:s14], [sflag:$0x4], $0x80, v3, vm3, $0xb8;
	[tilespmem:$0x1C500] =	vst v63  }
0xf4: {  	s15 =	simm.s32 $0x7500  }
0xf5: {  	[hbm4b:s31+s4] =	stream.indirect_vreg.scatter [tilespmem:s15], [sflag:$0x4], $0x80, v3, vm3, $0xb8;
	[tilespmem:$0x1C500] =	vst v63  }
0xf6: {  	s19 =	simm.s32 $0x7D00  }
0xf7: {  	[hbm4b:s0+s4] =	stream.indirect_vreg.scatter [tilespmem:s19], [sflag:$0x4], $0x80, v3, vm3, $0xb8;
	[tilespmem:$0x1C500] =	vst v63  }
0xf8: {  	_ =	swait.ge [sflag:s24], $0x8000  }
0xf9: {  	[sflag:s24] =	ssyncset.done $0x0  }
0xfa: {  	[sflag:s24] =	ssyncadd.s32 $0xFFFF8000  }
0xfb: {  	v3 =	vld [tilespmem:$0x180];
	_ =	sdelay $0x4  }
0xfc: {  	v40 =	vshll.u32 v3, $0x3  }
0xfd: {  	v3 =	vand.u32 $0x7, v3;
	v4 =	vand.u32 $0xFFFFFFC0, v40  }
0xfe: {  	v3 =	vor.u32 v3, v4  }
0xff: {  	v4 =	vperm.xlane v3, v0;
	_ =	sdelay $0x1  }
0x100: {  	v4 =	vadd.s32 v1, v4;
	_ =	sdelay $0x3  }
0x101: {  	s25 =	simm.s32 $0x8500  }
0x102: {  	[hbm4b:s11+s4] =	stream.indirect_vreg.scatter [tilespmem:s25], [sflag:$0x5], $0x80, v4, vm3, $0xb8;
	[tilespmem:$0x1C500] =	vst v63  }
0x103: {  	s29 =	simm.s32 $0x8D00;
	v3 =	vperm.xlane v3, v2  }
0x104: {  	[hbm4b:s30+s4] =	stream.indirect_vreg.scatter [tilespmem:s29], [sflag:$0x5], $0x80, v4, vm3, $0xb8;
	[tilespmem:$0x1C500] =	vst v63  }
0x105: {  	v3 =	vadd.s32 v1, v3;
	s29 =	simm.s32 $0x9500  }
0x106: {  	[hbm4b:s31+s4] =	stream.indirect_vreg.scatter [tilespmem:s29], [sflag:$0x5], $0x80, v4, vm3, $0xb8;
	[tilespmem:$0x1C500] =	vst v63  }
0x107: {  	s26 =	simm.s32 $0x9D00  }
0x108: {  	[hbm4b:s0+s4] =	stream.indirect_vreg.scatter [tilespmem:s26], [sflag:$0x5], $0x80, v4, vm3, $0xb8;
	[tilespmem:$0x1C500] =	vst v63  }
0x109: {  	s28 =	simm.s32 $0xA500  }
0x10a: {  	[hbm4b:s11+s4] =	stream.indirect_vreg.scatter [tilespmem:s28], [sflag:$0x5], $0x80, v3, vm3, $0xb8;
	[tilespmem:$0x1C500] =	vst v63  }
0x10b: {  	s26 =	simm.s32 $0xAD00  }
0x10c: {  	[hbm4b:s30+s4] =	stream.indirect_vreg.scatter [tilespmem:s26], [sflag:$0x5], $0x80, v3, vm3, $0xb8;
	[tilespmem:$0x1C500] =	vst v63  }
0x10d: {  	s28 =	simm.s32 $0xB500  }
0x10e: {  	[hbm4b:s31+s4] =	stream.indirect_vreg.scatter [tilespmem:s28], [sflag:$0x5], $0x80, v3, vm3, $0xb8;
	[tilespmem:$0x1C500] =	vst v63  }
0x10f: {  	s25 =	simm.s32 $0xBD00  }
0x110: {  	[hbm4b:s0+s4] =	stream.indirect_vreg.scatter [tilespmem:s25], [sflag:$0x5], $0x80, v3, vm3, $0xb8;
	[tilespmem:$0x1C500] =	vst v63  }
0x111: {  	v3 =	vld [tilespmem:$0x190];
	_ =	sdelay $0x4  }
0x112: {  	v41 =	vshll.u32 v3, $0x3  }
0x113: {  	v3 =	vand.u32 $0x7, v3;
	v4 =	vand.u32 $0xFFFFFFC0, v41  }
0x114: {  	v3 =	vor.u32 v3, v4  }
0x115: {  	v4 =	vperm.xlane v3, v0;
	_ =	sdelay $0x1  }
0x116: {  	v4 =	vadd.s32 v1, v4;
	_ =	sdelay $0x3  }
0x117: {  	s28 =	simm.s32 $0xC500  }
0x118: {  	[hbm4b:s11+s4] =	stream.indirect_vreg.scatter [tilespmem:s28], [sflag:$0x5], $0x80, v4, vm3, $0xb8;
	[tilespmem:$0x1C500] =	vst v63  }
0x119: {  	s26 =	simm.s32 $0xCD00;
	v3 =	vperm.xlane v3, v2  }
0x11a: {  	[hbm4b:s30+s4] =	stream.indirect_vreg.scatter [tilespmem:s26], [sflag:$0x5], $0x80, v4, vm3, $0xb8;
	[tilespmem:$0x1C500] =	vst v63  }
0x11b: {  	v3 =	vadd.s32 v1, v3;
	s26 =	simm.s32 $0xD500  }
0x11c: {  	[hbm4b:s31+s4] =	stream.indirect_vreg.scatter [tilespmem:s26], [sflag:$0x5], $0x80, v4, vm3, $0xb8;
	[tilespmem:$0x1C500] =	vst v63  }
0x11d: {  	s26 =	simm.s32 $0xDD00  }
0x11e: {  	[hbm4b:s0+s4] =	stream.indirect_vreg.scatter [tilespmem:s26], [sflag:$0x5], $0x80, v4, vm3, $0xb8;
	[tilespmem:$0x1C500] =	vst v63  }
0x11f: {  	s26 =	simm.s32 $0xE500  }
0x120: {  	[hbm4b:s11+s4] =	stream.indirect_vreg.scatter [tilespmem:s26], [sflag:$0x5], $0x80, v3, vm3, $0xb8;
	[tilespmem:$0x1C500] =	vst v63  }
0x121: {  	s26 =	simm.s32 $0xED00  }
0x122: {  	[hbm4b:s30+s4] =	stream.indirect_vreg.scatter [tilespmem:s26], [sflag:$0x5], $0x80, v3, vm3, $0xb8;
	[tilespmem:$0x1C500] =	vst v63  }
0x123: {  	s26 =	simm.s32 $0xF500  }
0x124: {  	[hbm4b:s31+s4] =	stream.indirect_vreg.scatter [tilespmem:s26], [sflag:$0x5], $0x80, v3, vm3, $0xb8;
	[tilespmem:$0x1C500] =	vst v63  }
0x125: {  	s26 =	simm.s32 $0xFD00  }
0x126: {  	[hbm4b:s0+s4] =	stream.indirect_vreg.scatter [tilespmem:s26], [sflag:$0x5], $0x80, v3, vm3, $0xb8;
	[tilespmem:$0x1C500] =	vst v63  }
0x127: {  	s26 =	simm.s32 $0x4  }
0x128: {  	_ =	swait.ge [sflag:s26], $0x8000  }
0x129: {  	[sflag:s26] =	ssyncset.done $0x0  }
0x12a: {  	[sflag:s26] =	ssyncadd.s32 $0xFFFF8000  }
0x12b: {  	v3 =	vld [tilespmem:$0x60];
	_ =	sdelay $0x4  }
0x12c: {  	v42 =	vshll.u32 v3, $0x3  }
0x12d: {  	v3 =	vand.u32 $0x7, v3;
	v4 =	vand.u32 $0xFFFFFFC0, v42  }
0x12e: {  	v3 =	vor.u32 v3, v4  }
0x12f: {  	v4 =	vperm.xlane v3, v0;
	_ =	sdelay $0x1  }
0x130: {  	v4 =	vadd.s32 v1, v4;
	_ =	sdelay $0x4  }
0x131: {  	[tilespmem:s22], [sflag:$0x1] =	stream.indirect_vreg.gather [hbm4b:s1+s4], $0x80, v4, vm3, $0xb8;
	[tilespmem:$0x1C500] =	vst v63  }
0x132: {  	v3 =	vperm.xlane v3, v2  }
0x133: {  	[tilespmem:s21], [sflag:$0x1] =	stream.indirect_vreg.gather [hbm4b:s8+s4], $0x80, v4, vm3, $0xb8;
	[tilespmem:$0x1C500] =	vst v63  }
0x134: {  	v3 =	vadd.s32 v1, v3  }
0x135: {  	[tilespmem:s20], [sflag:$0x1] =	stream.indirect_vreg.gather [hbm4b:s9+s4], $0x80, v4, vm3, $0xb8;
	[tilespmem:$0x1C500] =	vst v63  }
0x136: {  	_ = 	snop  }
0x137: {  	[tilespmem:s12], [sflag:$0x1] =	stream.indirect_vreg.gather [hbm4b:s10+s4], $0x80, v4, vm3, $0xb8;
	[tilespmem:$0x1C500] =	vst v63  }
0x138: {  	_ = 	snop  }
0x139: {  	[tilespmem:s2], [sflag:$0x1] =	stream.indirect_vreg.gather [hbm4b:s1+s4], $0x80, v3, vm3, $0xb8;
	[tilespmem:$0x1C500] =	vst v63  }
0x13a: {  	_ = 	snop  }
0x13b: {  	[tilespmem:s3], [sflag:$0x1] =	stream.indirect_vreg.gather [hbm4b:s8+s4], $0x80, v3, vm3, $0xb8;
	[tilespmem:$0x1C500] =	vst v63  }
0x13c: {  	_ = 	snop  }
0x13d: {  	[tilespmem:s5], [sflag:$0x1] =	stream.indirect_vreg.gather [hbm4b:s9+s4], $0x80, v3, vm3, $0xb8;
	[tilespmem:$0x1C500] =	vst v63  }
0x13e: {  	_ = 	snop  }
0x13f: {  	[tilespmem:s16], [sflag:$0x1] =	stream.indirect_vreg.gather [hbm4b:s10+s4], $0x80, v3, vm3, $0xb8;
	[tilespmem:$0x1C500] =	vst v63  }
0x140: {  	v3 =	vld [tilespmem:$0x70];
	_ =	sdelay $0x4  }
0x141: {  	v43 =	vshll.u32 v3, $0x3  }
0x142: {  	v3 =	vand.u32 $0x7, v3;
	v4 =	vand.u32 $0xFFFFFFC0, v43  }
0x143: {  	v3 =	vor.u32 v3, v4  }
0x144: {  	v4 =	vperm.xlane v3, v0;
	_ =	sdelay $0x1  }
0x145: {  	v4 =	vadd.s32 v1, v4;
	_ =	sdelay $0x4  }
0x146: {  	[tilespmem:s17], [sflag:$0x1] =	stream.indirect_vreg.gather [hbm4b:s1+s4], $0x80, v4, vm3, $0xb8;
	[tilespmem:$0x1C500] =	vst v63  }
0x147: {  	v3 =	vperm.xlane v3, v2  }
0x148: {  	[tilespmem:s18], [sflag:$0x1] =	stream.indirect_vreg.gather [hbm4b:s8+s4], $0x80, v4, vm3, $0xb8;
	[tilespmem:$0x1C500] =	vst v63  }
0x149: {  	v3 =	vadd.s32 v1, v3  }
0x14a: {  	[tilespmem:s6], [sflag:$0x1] =	stream.indirect_vreg.gather [hbm4b:s9+s4], $0x80, v4, vm3, $0xb8;
	[tilespmem:$0x1C500] =	vst v63  }
0x14b: {  	_ = 	snop  }
0x14c: {  	[tilespmem:s7], [sflag:$0x1] =	stream.indirect_vreg.gather [hbm4b:s10+s4], $0x80, v4, vm3, $0xb8;
	[tilespmem:$0x1C500] =	vst v63  }
0x14d: {  	_ = 	snop  }
0x14e: {  	[tilespmem:s13], [sflag:$0x1] =	stream.indirect_vreg.gather [hbm4b:s1+s4], $0x80, v3, vm3, $0xb8;
	[tilespmem:$0x1C500] =	vst v63  }
0x14f: {  	_ = 	snop  }
0x150: {  	[tilespmem:s14], [sflag:$0x1] =	stream.indirect_vreg.gather [hbm4b:s8+s4], $0x80, v3, vm3, $0xb8;
	[tilespmem:$0x1C500] =	vst v63  }
0x151: {  	_ = 	snop  }
0x152: {  	[tilespmem:s15], [sflag:$0x1] =	stream.indirect_vreg.gather [hbm4b:s9+s4], $0x80, v3, vm3, $0xb8;
	[tilespmem:$0x1C500] =	vst v63  }
0x153: {  	s2 =	simm.s32 $0x3  }
0x154: {  	[tilespmem:s19], [sflag:$0x1] =	stream.indirect_vreg.gather [hbm4b:s10+s4], $0x80, v3, vm3, $0xb8;
	[tilespmem:$0x1C500] =	vst v63  }
0x155: {  	_ =	swait.ge [sflag:s2], $0x8000  }
0x156: {  	[sflag:s2] =	ssyncset.done $0x0  }
0x157: {  	[sflag:s2] =	ssyncadd.s32 $0xFFFF8000  }
0x158: {  	v3 =	vld [tilespmem:$0x200];
	_ =	sdelay $0x4  }
0x159: {  	v44 =	vshll.u32 v3, $0x3  }
0x15a: {  	v3 =	vand.u32 $0x7, v3;
	v4 =	vand.u32 $0xFFFFFFC0, v44  }
0x15b: {  	v3 =	vor.u32 v3, v4  }
0x15c: {  	v4 =	vperm.xlane v3, v0;
	_ =	sdelay $0x1  }
0x15d: {  	v4 =	vadd.s32 v1, v4;
	_ =	sdelay $0x3  }
0x15e: {  	s17 =	simm.s32 $0x10500  }
0x15f: {  	[hbm4b:s11+s4] =	stream.indirect_vreg.scatter [tilespmem:s17], [sflag:$0x6], $0x80, v4, vm3, $0xb8;
	[tilespmem:$0x1C500] =	vst v63  }
0x160: {  	s18 =	simm.s32 $0x10D00;
	v3 =	vperm.xlane v3, v2  }
0x161: {  	[hbm4b:s30+s4] =	stream.indirect_vreg.scatter [tilespmem:s18], [sflag:$0x6], $0x80, v4, vm3, $0xb8;
	[tilespmem:$0x1C500] =	vst v63  }
0x162: {  	s5 =	simm.s32 $0x11500;
	v3 =	vadd.s32 v1, v3  }
0x163: {  	[hbm4b:s31+s4] =	stream.indirect_vreg.scatter [tilespmem:s5], [sflag:$0x6], $0x80, v4, vm3, $0xb8;
	[tilespmem:$0x1C500] =	vst v63  }
0x164: {  	s6 =	simm.s32 $0x11D00  }
0x165: {  	[hbm4b:s0+s4] =	stream.indirect_vreg.scatter [tilespmem:s6], [sflag:$0x6], $0x80, v4, vm3, $0xb8;
	[tilespmem:$0x1C500] =	vst v63  }
0x166: {  	s7 =	simm.s32 $0x12500  }
0x167: {  	[hbm4b:s11+s4] =	stream.indirect_vreg.scatter [tilespmem:s7], [sflag:$0x6], $0x80, v3, vm3, $0xb8;
	[tilespmem:$0x1C500] =	vst v63  }
0x168: {  	s13 =	simm.s32 $0x12D00  }
0x169: {  	[hbm4b:s30+s4] =	stream.indirect_vreg.scatter [tilespmem:s13], [sflag:$0x6], $0x80, v3, vm3, $0xb8;
	[tilespmem:$0x1C500] =	vst v63  }
0x16a: {  	s14 =	simm.s32 $0x13500  }
0x16b: {  	[hbm4b:s31+s4] =	stream.indirect_vreg.scatter [tilespmem:s14], [sflag:$0x6], $0x80, v3, vm3, $0xb8;
	[tilespmem:$0x1C500] =	vst v63  }
0x16c: {  	s19 =	simm.s32 $0x13D00  }
0x16d: {  	[hbm4b:s0+s4] =	stream.indirect_vreg.scatter [tilespmem:s19], [sflag:$0x6], $0x80, v3, vm3, $0xb8;
	[tilespmem:$0x1C500] =	vst v63  }
0x16e: {  	v3 =	vld [tilespmem:$0x210];
	_ =	sdelay $0x4  }
0x16f: {  	v45 =	vshll.u32 v3, $0x3  }
0x170: {  	v3 =	vand.u32 $0x7, v3;
	v4 =	vand.u32 $0xFFFFFFC0, v45  }
0x171: {  	v3 =	vor.u32 v3, v4  }
0x172: {  	v4 =	vperm.xlane v3, v0;
	_ =	sdelay $0x1  }
0x173: {  	v4 =	vadd.s32 v1, v4;
	_ =	sdelay $0x3  }
0x174: {  	s20 =	simm.s32 $0x14500  }
0x175: {  	[hbm4b:s11+s4] =	stream.indirect_vreg.scatter [tilespmem:s20], [sflag:$0x6], $0x80, v4, vm3, $0xb8;
	[tilespmem:$0x1C500] =	vst v63  }
0x176: {  	s21 =	simm.s32 $0x14D00;
	v3 =	vperm.xlane v3, v2  }
0x177: {  	[hbm4b:s30+s4] =	stream.indirect_vreg.scatter [tilespmem:s21], [sflag:$0x6], $0x80, v4, vm3, $0xb8;
	[tilespmem:$0x1C500] =	vst v63  }
0x178: {  	s15 =	simm.s32 $0x15500;
	v3 =	vadd.s32 v1, v3  }
0x179: {  	[hbm4b:s31+s4] =	stream.indirect_vreg.scatter [tilespmem:s15], [sflag:$0x6], $0x80, v4, vm3, $0xb8;
	[tilespmem:$0x1C500] =	vst v63  }
0x17a: {  	s16 =	simm.s32 $0x15D00  }
0x17b: {  	[hbm4b:s0+s4] =	stream.indirect_vreg.scatter [tilespmem:s16], [sflag:$0x6], $0x80, v4, vm3, $0xb8;
	[tilespmem:$0x1C500] =	vst v63  }
0x17c: {  	s22 =	simm.s32 $0x16500  }
0x17d: {  	[hbm4b:s11+s4] =	stream.indirect_vreg.scatter [tilespmem:s22], [sflag:$0x6], $0x80, v3, vm3, $0xb8;
	[tilespmem:$0x1C500] =	vst v63  }
0x17e: {  	s12 =	simm.s32 $0x16D00  }
0x17f: {  	[hbm4b:s30+s4] =	stream.indirect_vreg.scatter [tilespmem:s12], [sflag:$0x6], $0x80, v3, vm3, $0xb8;
	[tilespmem:$0x1C500] =	vst v63  }
0x180: {  	s12 =	simm.s32 $0x17500  }
0x181: {  	[hbm4b:s31+s4] =	stream.indirect_vreg.scatter [tilespmem:s12], [sflag:$0x6], $0x80, v3, vm3, $0xb8;
	[tilespmem:$0x1C500] =	vst v63  }
0x182: {  	s12 =	simm.s32 $0x17D00  }
0x183: {  	[hbm4b:s0+s4] =	stream.indirect_vreg.scatter [tilespmem:s12], [sflag:$0x6], $0x80, v3, vm3, $0xb8;
	[tilespmem:$0x1C500] =	vst v63  }
0x184: {  	s12 =	simm.s32 $0x5  }
0x185: {  	_ =	swait.ge [sflag:s12], $0x8000  }
0x186: {  	[sflag:s12] =	ssyncset.done $0x0  }
0x187: {  	[sflag:s12] =	ssyncadd.s32 $0xFFFF8000  }
0x188: {  	v3 =	vld [tilespmem:$0x80];
	_ =	sdelay $0x4  }
0x189: {  	v46 =	vshll.u32 v3, $0x3  }
0x18a: {  	v3 =	vand.u32 $0x7, v3;
	v4 =	vand.u32 $0xFFFFFFC0, v46  }
0x18b: {  	v3 =	vor.u32 v3, v4  }
0x18c: {  	v4 =	vperm.xlane v3, v0;
	_ =	sdelay $0x1  }
0x18d: {  	v4 =	vadd.s32 v1, v4;
	_ =	sdelay $0x3  }
0x18e: {  	s3 =	simm.s32 $0x8500  }
0x18f: {  	[tilespmem:s3], [sflag:$0x2] =	stream.indirect_vreg.gather [hbm4b:s1+s4], $0x80, v4, vm3, $0xb8;
	[tilespmem:$0x1C500] =	vst v63  }
0x190: {  	v3 =	vperm.xlane v3, v2;
	s3 =	simm.s32 $0x8D00  }
0x191: {  	[tilespmem:s3], [sflag:$0x2] =	stream.indirect_vreg.gather [hbm4b:s8+s4], $0x80, v4, vm3, $0xb8;
	[tilespmem:$0x1C500] =	vst v63  }
0x192: {  	v3 =	vadd.s32 v1, v3  }
0x193: {  	[tilespmem:s29], [sflag:$0x2] =	stream.indirect_vreg.gather [hbm4b:s9+s4], $0x80, v4, vm3, $0xb8;
	[tilespmem:$0x1C500] =	vst v63  }
0x194: {  	s29 =	simm.s32 $0x9D00  }
0x195: {  	[tilespmem:s29], [sflag:$0x2] =	stream.indirect_vreg.gather [hbm4b:s10+s4], $0x80, v4, vm3, $0xb8;
	[tilespmem:$0x1C500] =	vst v63  }
0x196: {  	s29 =	simm.s32 $0xA500  }
0x197: {  	[tilespmem:s29], [sflag:$0x2] =	stream.indirect_vreg.gather [hbm4b:s1+s4], $0x80, v3, vm3, $0xb8;
	[tilespmem:$0x1C500] =	vst v63  }
0x198: {  	s29 =	simm.s32 $0xAD00  }
0x199: {  	[tilespmem:s29], [sflag:$0x2] =	stream.indirect_vreg.gather [hbm4b:s8+s4], $0x80, v3, vm3, $0xb8;
	[tilespmem:$0x1C500] =	vst v63  }
0x19a: {  	s29 =	simm.s32 $0xB500  }
0x19b: {  	[tilespmem:s29], [sflag:$0x2] =	stream.indirect_vreg.gather [hbm4b:s9+s4], $0x80, v3, vm3, $0xb8;
	[tilespmem:$0x1C500] =	vst v63  }
0x19c: {  	_ = 	snop  }
0x19d: {  	[tilespmem:s25], [sflag:$0x2] =	stream.indirect_vreg.gather [hbm4b:s10+s4], $0x80, v3, vm3, $0xb8;
	[tilespmem:$0x1C500] =	vst v63  }
0x19e: {  	v3 =	vld [tilespmem:$0x90];
	_ =	sdelay $0x4  }
0x19f: {  	v47 =	vshll.u32 v3, $0x3  }
0x1a0: {  	v3 =	vand.u32 $0x7, v3;
	v4 =	vand.u32 $0xFFFFFFC0, v47  }
0x1a1: {  	v3 =	vor.u32 v3, v4  }
0x1a2: {  	v4 =	vperm.xlane v3, v0;
	_ =	sdelay $0x1  }
0x1a3: {  	v4 =	vadd.s32 v1, v4;
	_ =	sdelay $0x4  }
0x1a4: {  	[tilespmem:s28], [sflag:$0x2] =	stream.indirect_vreg.gather [hbm4b:s1+s4], $0x80, v4, vm3, $0xb8;
	[tilespmem:$0x1C500] =	vst v63  }
0x1a5: {  	v3 =	vperm.xlane v3, v2;
	s28 =	simm.s32 $0xCD00  }
0x1a6: {  	[tilespmem:s28], [sflag:$0x2] =	stream.indirect_vreg.gather [hbm4b:s8+s4], $0x80, v4, vm3, $0xb8;
	[tilespmem:$0x1C500] =	vst v63  }
0x1a7: {  	s29 =	simm.s32 $0xD500;
	v3 =	vadd.s32 v1, v3  }
0x1a8: {  	[tilespmem:s29], [sflag:$0x2] =	stream.indirect_vreg.gather [hbm4b:s9+s4], $0x80, v4, vm3, $0xb8;
	[tilespmem:$0x1C500] =	vst v63  }
0x1a9: {  	s25 =	simm.s32 $0xDD00  }
0x1aa: {  	[tilespmem:s25], [sflag:$0x2] =	stream.indirect_vreg.gather [hbm4b:s10+s4], $0x80, v4, vm3, $0xb8;
	[tilespmem:$0x1C500] =	vst v63  }
0x1ab: {  	s28 =	simm.s32 $0xE500  }
0x1ac: {  	[tilespmem:s28], [sflag:$0x2] =	stream.indirect_vreg.gather [hbm4b:s1+s4], $0x80, v3, vm3, $0xb8;
	[tilespmem:$0x1C500] =	vst v63  }
0x1ad: {  	s29 =	simm.s32 $0xED00  }
0x1ae: {  	[tilespmem:s29], [sflag:$0x2] =	stream.indirect_vreg.gather [hbm4b:s8+s4], $0x80, v3, vm3, $0xb8;
	[tilespmem:$0x1C500] =	vst v63  }
0x1af: {  	s25 =	simm.s32 $0xF500  }
0x1b0: {  	[tilespmem:s25], [sflag:$0x2] =	stream.indirect_vreg.gather [hbm4b:s9+s4], $0x80, v3, vm3, $0xb8;
	[tilespmem:$0x1C500] =	vst v63  }
0x1b1: {  	s28 =	simm.s32 $0xFD00  }
0x1b2: {  	[tilespmem:s28], [sflag:$0x2] =	stream.indirect_vreg.gather [hbm4b:s10+s4], $0x80, v3, vm3, $0xb8;
	[tilespmem:$0x1C500] =	vst v63  }
0x1b3: {  	_ =	swait.ge [sflag:s23], $0x8000  }
0x1b4: {  	[sflag:s23] =	ssyncset.done $0x0  }
0x1b5: {  	[sflag:s23] =	ssyncadd.s32 $0xFFFF8000  }
0x1b6: {  	v3 =	vld [tilespmem:$0x280];
	_ =	sdelay $0x4  }
0x1b7: {  	v48 =	vshll.u32 v3, $0x3  }
0x1b8: {  	v3 =	vand.u32 $0x7, v3;
	v4 =	vand.u32 $0xFFFFFFC0, v48  }
0x1b9: {  	v3 =	vor.u32 v3, v4  }
0x1ba: {  	v4 =	vperm.xlane v3, v0;
	_ =	sdelay $0x1  }
0x1bb: {  	v4 =	vadd.s32 v1, v4;
	_ =	sdelay $0x3  }
0x1bc: {  	s29 =	simm.s32 $0x500  }
0x1bd: {  	[hbm4b:s11+s4] =	stream.indirect_vreg.scatter [tilespmem:s29], [sflag:$0x4], $0x80, v4, vm3, $0xb8;
	[tilespmem:$0x1C500] =	vst v63  }
0x1be: {  	s25 =	simm.s32 $0xD00;
	v3 =	vperm.xlane v3, v2  }
0x1bf: {  	[hbm4b:s30+s4] =	stream.indirect_vreg.scatter [tilespmem:s25], [sflag:$0x4], $0x80, v4, vm3, $0xb8;
	[tilespmem:$0x1C500] =	vst v63  }
0x1c0: {  	s28 =	simm.s32 $0x1500;
	v3 =	vadd.s32 v1, v3  }
0x1c1: {  	[hbm4b:s31+s4] =	stream.indirect_vreg.scatter [tilespmem:s28], [sflag:$0x4], $0x80, v4, vm3, $0xb8;
	[tilespmem:$0x1C500] =	vst v63  }
0x1c2: {  	s29 =	simm.s32 $0x1D00  }
0x1c3: {  	[hbm4b:s0+s4] =	stream.indirect_vreg.scatter [tilespmem:s29], [sflag:$0x4], $0x80, v4, vm3, $0xb8;
	[tilespmem:$0x1C500] =	vst v63  }
0x1c4: {  	s25 =	simm.s32 $0x2500  }
0x1c5: {  	[hbm4b:s11+s4] =	stream.indirect_vreg.scatter [tilespmem:s25], [sflag:$0x4], $0x80, v3, vm3, $0xb8;
	[tilespmem:$0x1C500] =	vst v63  }
0x1c6: {  	s28 =	simm.s32 $0x2D00  }
0x1c7: {  	[hbm4b:s30+s4] =	stream.indirect_vreg.scatter [tilespmem:s28], [sflag:$0x4], $0x80, v3, vm3, $0xb8;
	[tilespmem:$0x1C500] =	vst v63  }
0x1c8: {  	s29 =	simm.s32 $0x3500  }
0x1c9: {  	[hbm4b:s31+s4] =	stream.indirect_vreg.scatter [tilespmem:s29], [sflag:$0x4], $0x80, v3, vm3, $0xb8;
	[tilespmem:$0x1C500] =	vst v63  }
0x1ca: {  	s25 =	simm.s32 $0x3D00  }
0x1cb: {  	[hbm4b:s0+s4] =	stream.indirect_vreg.scatter [tilespmem:s25], [sflag:$0x4], $0x80, v3, vm3, $0xb8;
	[tilespmem:$0x1C500] =	vst v63  }
0x1cc: {  	v3 =	vld [tilespmem:$0x290];
	_ =	sdelay $0x4  }
0x1cd: {  	v49 =	vshll.u32 v3, $0x3  }
0x1ce: {  	v3 =	vand.u32 $0x7, v3;
	v4 =	vand.u32 $0xFFFFFFC0, v49  }
0x1cf: {  	v3 =	vor.u32 v3, v4  }
0x1d0: {  	v4 =	vperm.xlane v3, v0;
	_ =	sdelay $0x1  }
0x1d1: {  	v4 =	vadd.s32 v1, v4;
	_ =	sdelay $0x3  }
0x1d2: {  	s28 =	simm.s32 $0x4500  }
0x1d3: {  	[hbm4b:s11+s4] =	stream.indirect_vreg.scatter [tilespmem:s28], [sflag:$0x4], $0x80, v4, vm3, $0xb8;
	[tilespmem:$0x1C500] =	vst v63  }
0x1d4: {  	s29 =	simm.s32 $0x4D00;
	v3 =	vperm.xlane v3, v2  }
0x1d5: {  	[hbm4b:s30+s4] =	stream.indirect_vreg.scatter [tilespmem:s29], [sflag:$0x4], $0x80, v4, vm3, $0xb8;
	[tilespmem:$0x1C500] =	vst v63  }
0x1d6: {  	s25 =	simm.s32 $0x5500;
	v3 =	vadd.s32 v1, v3  }
0x1d7: {  	[hbm4b:s31+s4] =	stream.indirect_vreg.scatter [tilespmem:s25], [sflag:$0x4], $0x80, v4, vm3, $0xb8;
	[tilespmem:$0x1C500] =	vst v63  }
0x1d8: {  	s28 =	simm.s32 $0x5D00  }
0x1d9: {  	[hbm4b:s0+s4] =	stream.indirect_vreg.scatter [tilespmem:s28], [sflag:$0x4], $0x80, v4, vm3, $0xb8;
	[tilespmem:$0x1C500] =	vst v63  }
0x1da: {  	s29 =	simm.s32 $0x6500  }
0x1db: {  	[hbm4b:s11+s4] =	stream.indirect_vreg.scatter [tilespmem:s29], [sflag:$0x4], $0x80, v3, vm3, $0xb8;
	[tilespmem:$0x1C500] =	vst v63  }
0x1dc: {  	s25 =	simm.s32 $0x6D00  }
0x1dd: {  	[hbm4b:s30+s4] =	stream.indirect_vreg.scatter [tilespmem:s25], [sflag:$0x4], $0x80, v3, vm3, $0xb8;
	[tilespmem:$0x1C500] =	vst v63  }
0x1de: {  	s28 =	simm.s32 $0x7500  }
0x1df: {  	[hbm4b:s31+s4] =	stream.indirect_vreg.scatter [tilespmem:s28], [sflag:$0x4], $0x80, v3, vm3, $0xb8;
	[tilespmem:$0x1C500] =	vst v63  }
0x1e0: {  	s3 =	simm.s32 $0x6;
	s29 =	simm.s32 $0x7D00  }
0x1e1: {  	[hbm4b:s0+s4] =	stream.indirect_vreg.scatter [tilespmem:s29], [sflag:$0x4], $0x80, v3, vm3, $0xb8;
	[tilespmem:$0x1C500] =	vst v63  }
0x1e2: {  	_ =	swait.ge [sflag:s3], $0x8000  }
0x1e3: {  	[sflag:s3] =	ssyncset.done $0x0  }
0x1e4: {  	[sflag:s3] =	ssyncadd.s32 $0xFFFF8000  }
0x1e5: {  	v3 =	vld [tilespmem:$0xA0];
	_ =	sdelay $0x4  }
0x1e6: {  	v50 =	vshll.u32 v3, $0x3  }
0x1e7: {  	v3 =	vand.u32 $0x7, v3;
	v4 =	vand.u32 $0xFFFFFFC0, v50  }
0x1e8: {  	v3 =	vor.u32 v3, v4  }
0x1e9: {  	v4 =	vperm.xlane v3, v0;
	_ =	sdelay $0x1  }
0x1ea: {  	v4 =	vadd.s32 v1, v4;
	_ =	sdelay $0x4  }
0x1eb: {  	[tilespmem:s17], [sflag:$0x3] =	stream.indirect_vreg.gather [hbm4b:s1+s4], $0x80, v4, vm3, $0xb8;
	[tilespmem:$0x1C500] =	vst v63  }
0x1ec: {  	v3 =	vperm.xlane v3, v2  }
0x1ed: {  	[tilespmem:s18], [sflag:$0x3] =	stream.indirect_vreg.gather [hbm4b:s8+s4], $0x80, v4, vm3, $0xb8;
	[tilespmem:$0x1C500] =	vst v63  }
0x1ee: {  	v3 =	vadd.s32 v1, v3  }
0x1ef: {  	[tilespmem:s5], [sflag:$0x3] =	stream.indirect_vreg.gather [hbm4b:s9+s4], $0x80, v4, vm3, $0xb8;
	[tilespmem:$0x1C500] =	vst v63  }
0x1f0: {  	_ = 	snop  }
0x1f1: {  	[tilespmem:s6], [sflag:$0x3] =	stream.indirect_vreg.gather [hbm4b:s10+s4], $0x80, v4, vm3, $0xb8;
	[tilespmem:$0x1C500] =	vst v63  }
0x1f2: {  	_ = 	snop  }
0x1f3: {  	[tilespmem:s7], [sflag:$0x3] =	stream.indirect_vreg.gather [hbm4b:s1+s4], $0x80, v3, vm3, $0xb8;
	[tilespmem:$0x1C500] =	vst v63  }
0x1f4: {  	_ = 	snop  }
0x1f5: {  	[tilespmem:s13], [sflag:$0x3] =	stream.indirect_vreg.gather [hbm4b:s8+s4], $0x80, v3, vm3, $0xb8;
	[tilespmem:$0x1C500] =	vst v63  }
0x1f6: {  	_ = 	snop  }
0x1f7: {  	[tilespmem:s14], [sflag:$0x3] =	stream.indirect_vreg.gather [hbm4b:s9+s4], $0x80, v3, vm3, $0xb8;
	[tilespmem:$0x1C500] =	vst v63  }
0x1f8: {  	_ = 	snop  }
0x1f9: {  	[tilespmem:s19], [sflag:$0x3] =	stream.indirect_vreg.gather [hbm4b:s10+s4], $0x80, v3, vm3, $0xb8;
	[tilespmem:$0x1C500] =	vst v63  }
0x1fa: {  	v3 =	vld [tilespmem:$0xB0];
	_ =	sdelay $0x4  }
0x1fb: {  	v51 =	vshll.u32 v3, $0x3  }
0x1fc: {  	v3 =	vand.u32 $0x7, v3;
	v4 =	vand.u32 $0xFFFFFFC0, v51  }
0x1fd: {  	v3 =	vor.u32 v3, v4  }
0x1fe: {  	v4 =	vperm.xlane v3, v0;
	_ =	sdelay $0x1  }
0x1ff: {  	v4 =	vadd.s32 v1, v4;
	_ =	sdelay $0x4  }
0x200: {  	[tilespmem:s20], [sflag:$0x3] =	stream.indirect_vreg.gather [hbm4b:s1+s4], $0x80, v4, vm3, $0xb8;
	[tilespmem:$0x1C500] =	vst v63  }
0x201: {  	v3 =	vperm.xlane v3, v2  }
0x202: {  	[tilespmem:s21], [sflag:$0x3] =	stream.indirect_vreg.gather [hbm4b:s8+s4], $0x80, v4, vm3, $0xb8;
	[tilespmem:$0x1C500] =	vst v63  }
0x203: {  	v3 =	vadd.s32 v1, v3  }
0x204: {  	[tilespmem:s15], [sflag:$0x3] =	stream.indirect_vreg.gather [hbm4b:s9+s4], $0x80, v4, vm3, $0xb8;
	[tilespmem:$0x1C500] =	vst v63  }
0x205: {  	_ = 	snop  }
0x206: {  	[tilespmem:s16], [sflag:$0x3] =	stream.indirect_vreg.gather [hbm4b:s10+s4], $0x80, v4, vm3, $0xb8;
	[tilespmem:$0x1C500] =	vst v63  }
0x207: {  	_ = 	snop  }
0x208: {  	[tilespmem:s22], [sflag:$0x3] =	stream.indirect_vreg.gather [hbm4b:s1+s4], $0x80, v3, vm3, $0xb8;
	[tilespmem:$0x1C500] =	vst v63  }
0x209: {  	s15 =	simm.s32 $0x16D00  }
0x20a: {  	[tilespmem:s15], [sflag:$0x3] =	stream.indirect_vreg.gather [hbm4b:s8+s4], $0x80, v3, vm3, $0xb8;
	[tilespmem:$0x1C500] =	vst v63  }
0x20b: {  	s16 =	simm.s32 $0x17500  }
0x20c: {  	[tilespmem:s16], [sflag:$0x3] =	stream.indirect_vreg.gather [hbm4b:s9+s4], $0x80, v3, vm3, $0xb8;
	[tilespmem:$0x1C500] =	vst v63  }
0x20d: {  	s17 =	simm.s32 $0x17D00  }
0x20e: {  	[tilespmem:s17], [sflag:$0x3] =	stream.indirect_vreg.gather [hbm4b:s10+s4], $0x80, v3, vm3, $0xb8;
	[tilespmem:$0x1C500] =	vst v63  }
0x20f: {  	_ =	swait.ge [sflag:s24], $0x8000  }
0x210: {  	[sflag:s24] =	ssyncset.done $0x0  }
0x211: {  	[sflag:s24] =	ssyncadd.s32 $0xFFFF8000  }
0x212: {  	v3 =	vld [tilespmem:$0x300];
	_ =	sdelay $0x4  }
0x213: {  	v52 =	vshll.u32 v3, $0x3  }
0x214: {  	v3 =	vand.u32 $0x7, v3;
	v4 =	vand.u32 $0xFFFFFFC0, v52  }
0x215: {  	v3 =	vor.u32 v3, v4  }
0x216: {  	v4 =	vperm.xlane v3, v0;
	_ =	sdelay $0x1  }
0x217: {  	v4 =	vadd.s32 v1, v4;
	_ =	sdelay $0x3  }
0x218: {  	s6 =	simm.s32 $0x8500  }
0x219: {  	[hbm4b:s11+s4] =	stream.indirect_vreg.scatter [tilespmem:s6], [sflag:$0x5], $0x80, v4, vm3, $0xb8;
	[tilespmem:$0x1C500] =	vst v63  }
0x21a: {  	s7 =	simm.s32 $0x8D00;
	v3 =	vperm.xlane v3, v2  }
0x21b: {  	[hbm4b:s30+s4] =	stream.indirect_vreg.scatter [tilespmem:s7], [sflag:$0x5], $0x80, v4, vm3, $0xb8;
	[tilespmem:$0x1C500] =	vst v63  }
0x21c: {  	s18 =	simm.s32 $0x9500;
	v3 =	vadd.s32 v1, v3  }
0x21d: {  	[hbm4b:s31+s4] =	stream.indirect_vreg.scatter [tilespmem:s18], [sflag:$0x5], $0x80, v4, vm3, $0xb8;
	[tilespmem:$0x1C500] =	vst v63  }
0x21e: {  	s19 =	simm.s32 $0x9D00  }
0x21f: {  	[hbm4b:s0+s4] =	stream.indirect_vreg.scatter [tilespmem:s19], [sflag:$0x5], $0x80, v4, vm3, $0xb8;
	[tilespmem:$0x1C500] =	vst v63  }
0x220: {  	s20 =	simm.s32 $0xA500  }
0x221: {  	[hbm4b:s11+s4] =	stream.indirect_vreg.scatter [tilespmem:s20], [sflag:$0x5], $0x80, v3, vm3, $0xb8;
	[tilespmem:$0x1C500] =	vst v63  }
0x222: {  	s21 =	simm.s32 $0xAD00  }
0x223: {  	[hbm4b:s30+s4] =	stream.indirect_vreg.scatter [tilespmem:s21], [sflag:$0x5], $0x80, v3, vm3, $0xb8;
	[tilespmem:$0x1C500] =	vst v63  }
0x224: {  	s22 =	simm.s32 $0xB500  }
0x225: {  	[hbm4b:s31+s4] =	stream.indirect_vreg.scatter [tilespmem:s22], [sflag:$0x5], $0x80, v3, vm3, $0xb8;
	[tilespmem:$0x1C500] =	vst v63  }
0x226: {  	s13 =	simm.s32 $0xBD00  }
0x227: {  	[hbm4b:s0+s4] =	stream.indirect_vreg.scatter [tilespmem:s13], [sflag:$0x5], $0x80, v3, vm3, $0xb8;
	[tilespmem:$0x1C500] =	vst v63  }
0x228: {  	v3 =	vld [tilespmem:$0x310];
	_ =	sdelay $0x4  }
0x229: {  	v53 =	vshll.u32 v3, $0x3  }
0x22a: {  	v3 =	vand.u32 $0x7, v3;
	v4 =	vand.u32 $0xFFFFFFC0, v53  }
0x22b: {  	v3 =	vor.u32 v3, v4  }
0x22c: {  	v4 =	vperm.xlane v3, v0;
	_ =	sdelay $0x1  }
0x22d: {  	v4 =	vadd.s32 v1, v4;
	_ =	sdelay $0x3  }
0x22e: {  	s14 =	simm.s32 $0xC500  }
0x22f: {  	[hbm4b:s11+s4] =	stream.indirect_vreg.scatter [tilespmem:s14], [sflag:$0x5], $0x80, v4, vm3, $0xb8;
	[tilespmem:$0x1C500] =	vst v63  }
0x230: {  	s15 =	simm.s32 $0xCD00;
	v3 =	vperm.xlane v3, v2  }
0x231: {  	[hbm4b:s30+s4] =	stream.indirect_vreg.scatter [tilespmem:s15], [sflag:$0x5], $0x80, v4, vm3, $0xb8;
	[tilespmem:$0x1C500] =	vst v63  }
0x232: {  	s25 =	simm.s32 $0xD500;
	v3 =	vadd.s32 v1, v3  }
0x233: {  	[hbm4b:s31+s4] =	stream.indirect_vreg.scatter [tilespmem:s25], [sflag:$0x5], $0x80, v4, vm3, $0xb8;
	[tilespmem:$0x1C500] =	vst v63  }
0x234: {  	s28 =	simm.s32 $0xDD00  }
0x235: {  	[hbm4b:s0+s4] =	stream.indirect_vreg.scatter [tilespmem:s28], [sflag:$0x5], $0x80, v4, vm3, $0xb8;
	[tilespmem:$0x1C500] =	vst v63  }
0x236: {  	s29 =	simm.s32 $0xE500  }
0x237: {  	[hbm4b:s11+s4] =	stream.indirect_vreg.scatter [tilespmem:s29], [sflag:$0x5], $0x80, v3, vm3, $0xb8;
	[tilespmem:$0x1C500] =	vst v63  }
0x238: {  	s16 =	simm.s32 $0xED00  }
0x239: {  	[hbm4b:s30+s4] =	stream.indirect_vreg.scatter [tilespmem:s16], [sflag:$0x5], $0x80, v3, vm3, $0xb8;
	[tilespmem:$0x1C500] =	vst v63  }
0x23a: {  	s17 =	simm.s32 $0xF500  }
0x23b: {  	[hbm4b:s31+s4] =	stream.indirect_vreg.scatter [tilespmem:s17], [sflag:$0x5], $0x80, v3, vm3, $0xb8;
	[tilespmem:$0x1C500] =	vst v63  }
0x23c: {  	s18 =	simm.s32 $0xFD00  }
0x23d: {  	[hbm4b:s0+s4] =	stream.indirect_vreg.scatter [tilespmem:s18], [sflag:$0x5], $0x80, v3, vm3, $0xb8;
	[tilespmem:$0x1C500] =	vst v63  }
0x23e: {  	_ =	swait.ge [sflag:s26], $0x8000  }
0x23f: {  	[sflag:s26] =	ssyncset.done $0x0  }
0x240: {  	[sflag:s26] =	ssyncadd.s32 $0xFFFF8000  }
0x241: {  	v3 =	vld [tilespmem:$0xC0];
	_ =	sdelay $0x4  }
0x242: {  	v54 =	vshll.u32 v3, $0x3  }
0x243: {  	v3 =	vand.u32 $0x7, v3;
	v4 =	vand.u32 $0xFFFFFFC0, v54  }
0x244: {  	v3 =	vor.u32 v3, v4  }
0x245: {  	v4 =	vperm.xlane v3, v0;
	_ =	sdelay $0x1  }
0x246: {  	v4 =	vadd.s32 v1, v4;
	_ =	sdelay $0x3  }
0x247: {  	s21 =	simm.s32 $0x500  }
0x248: {  	[tilespmem:s21], [sflag:$0x1] =	stream.indirect_vreg.gather [hbm4b:s1+s4], $0x80, v4, vm3, $0xb8;
	[tilespmem:$0x1C500] =	vst v63  }
0x249: {  	s22 =	simm.s32 $0xD00;
	v3 =	vperm.xlane v3, v2  }
0x24a: {  	[tilespmem:s22], [sflag:$0x1] =	stream.indirect_vreg.gather [hbm4b:s8+s4], $0x80, v4, vm3, $0xb8;
	[tilespmem:$0x1C500] =	vst v63  }
0x24b: {  	s19 =	simm.s32 $0x1500;
	v3 =	vadd.s32 v1, v3  }
0x24c: {  	[tilespmem:s19], [sflag:$0x1] =	stream.indirect_vreg.gather [hbm4b:s9+s4], $0x80, v4, vm3, $0xb8;
	[tilespmem:$0x1C500] =	vst v63  }
0x24d: {  	s20 =	simm.s32 $0x1D00  }
0x24e: {  	[tilespmem:s20], [sflag:$0x1] =	stream.indirect_vreg.gather [hbm4b:s10+s4], $0x80, v4, vm3, $0xb8;
	[tilespmem:$0x1C500] =	vst v63  }
0x24f: {  	s25 =	simm.s32 $0x2500  }
0x250: {  	[tilespmem:s25], [sflag:$0x1] =	stream.indirect_vreg.gather [hbm4b:s1+s4], $0x80, v3, vm3, $0xb8;
	[tilespmem:$0x1C500] =	vst v63  }
0x251: {  	s28 =	simm.s32 $0x2D00  }
0x252: {  	[tilespmem:s28], [sflag:$0x1] =	stream.indirect_vreg.gather [hbm4b:s8+s4], $0x80, v3, vm3, $0xb8;
	[tilespmem:$0x1C500] =	vst v63  }
0x253: {  	s29 =	simm.s32 $0x3500  }
0x254: {  	[tilespmem:s29], [sflag:$0x1] =	stream.indirect_vreg.gather [hbm4b:s9+s4], $0x80, v3, vm3, $0xb8;
	[tilespmem:$0x1C500] =	vst v63  }
0x255: {  	s25 =	simm.s32 $0x3D00  }
0x256: {  	[tilespmem:s25], [sflag:$0x1] =	stream.indirect_vreg.gather [hbm4b:s10+s4], $0x80, v3, vm3, $0xb8;
	[tilespmem:$0x1C500] =	vst v63  }
0x257: {  	v3 =	vld [tilespmem:$0xD0];
	_ =	sdelay $0x4  }
0x258: {  	v55 =	vshll.u32 v3, $0x3  }
0x259: {  	v3 =	vand.u32 $0x7, v3;
	v4 =	vand.u32 $0xFFFFFFC0, v55  }
0x25a: {  	v3 =	vor.u32 v3, v4  }
0x25b: {  	v4 =	vperm.xlane v3, v0;
	_ =	sdelay $0x1  }
0x25c: {  	v4 =	vadd.s32 v1, v4;
	_ =	sdelay $0x3  }
0x25d: {  	s28 =	simm.s32 $0x4500  }
0x25e: {  	[tilespmem:s28], [sflag:$0x1] =	stream.indirect_vreg.gather [hbm4b:s1+s4], $0x80, v4, vm3, $0xb8;
	[tilespmem:$0x1C500] =	vst v63  }
0x25f: {  	s29 =	simm.s32 $0x4D00;
	v3 =	vperm.xlane v3, v2  }
0x260: {  	[tilespmem:s29], [sflag:$0x1] =	stream.indirect_vreg.gather [hbm4b:s8+s4], $0x80, v4, vm3, $0xb8;
	[tilespmem:$0x1C500] =	vst v63  }
0x261: {  	s16 =	simm.s32 $0x5500;
	v3 =	vadd.s32 v1, v3  }
0x262: {  	[tilespmem:s16], [sflag:$0x1] =	stream.indirect_vreg.gather [hbm4b:s9+s4], $0x80, v4, vm3, $0xb8;
	[tilespmem:$0x1C500] =	vst v63  }
0x263: {  	s17 =	simm.s32 $0x5D00  }
0x264: {  	[tilespmem:s17], [sflag:$0x1] =	stream.indirect_vreg.gather [hbm4b:s10+s4], $0x80, v4, vm3, $0xb8;
	[tilespmem:$0x1C500] =	vst v63  }
0x265: {  	s18 =	simm.s32 $0x6500  }
0x266: {  	[tilespmem:s18], [sflag:$0x1] =	stream.indirect_vreg.gather [hbm4b:s1+s4], $0x80, v3, vm3, $0xb8;
	[tilespmem:$0x1C500] =	vst v63  }
0x267: {  	s19 =	simm.s32 $0x6D00  }
0x268: {  	[tilespmem:s19], [sflag:$0x1] =	stream.indirect_vreg.gather [hbm4b:s8+s4], $0x80, v3, vm3, $0xb8;
	[tilespmem:$0x1C500] =	vst v63  }
0x269: {  	s20 =	simm.s32 $0x7500  }
0x26a: {  	[tilespmem:s20], [sflag:$0x1] =	stream.indirect_vreg.gather [hbm4b:s9+s4], $0x80, v3, vm3, $0xb8;
	[tilespmem:$0x1C500] =	vst v63  }
0x26b: {  	s5 =	simm.s32 $0x7D00  }
0x26c: {  	[tilespmem:s5], [sflag:$0x1] =	stream.indirect_vreg.gather [hbm4b:s10+s4], $0x80, v3, vm3, $0xb8;
	[tilespmem:$0x1C500] =	vst v63  }
0x26d: {  	_ =	swait.ge [sflag:s2], $0x8000  }
0x26e: {  	[sflag:s2] =	ssyncset.done $0x0  }
0x26f: {  	[sflag:s2] =	ssyncadd.s32 $0xFFFF8000  }
0x270: {  	v3 =	vld [tilespmem:$0x380];
	_ =	sdelay $0x4  }
0x271: {  	v56 =	vshll.u32 v3, $0x3  }
0x272: {  	v3 =	vand.u32 $0x7, v3;
	v4 =	vand.u32 $0xFFFFFFC0, v56  }
0x273: {  	v3 =	vor.u32 v3, v4  }
0x274: {  	v4 =	vperm.xlane v3, v0;
	_ =	sdelay $0x1  }
0x275: {  	v4 =	vadd.s32 v1, v4;
	_ =	sdelay $0x3  }
0x276: {  	s5 =	simm.s32 $0x10500  }
0x277: {  	[hbm4b:s11+s4] =	stream.indirect_vreg.scatter [tilespmem:s5], [sflag:$0x6], $0x80, v4, vm3, $0xb8;
	[tilespmem:$0x1C500] =	vst v63  }
0x278: {  	v3 =	vperm.xlane v3, v2;
	s5 =	simm.s32 $0x10D00  }
0x279: {  	[hbm4b:s30+s4] =	stream.indirect_vreg.scatter [tilespmem:s5], [sflag:$0x6], $0x80, v4, vm3, $0xb8;
	[tilespmem:$0x1C500] =	vst v63  }
0x27a: {  	v3 =	vadd.s32 v1, v3;
	s5 =	simm.s32 $0x11500  }
0x27b: {  	[hbm4b:s31+s4] =	stream.indirect_vreg.scatter [tilespmem:s5], [sflag:$0x6], $0x80, v4, vm3, $0xb8;
	[tilespmem:$0x1C500] =	vst v63  }
0x27c: {  	s5 =	simm.s32 $0x11D00  }
0x27d: {  	[hbm4b:s0+s4] =	stream.indirect_vreg.scatter [tilespmem:s5], [sflag:$0x6], $0x80, v4, vm3, $0xb8;
	[tilespmem:$0x1C500] =	vst v63  }
0x27e: {  	s5 =	simm.s32 $0x12500  }
0x27f: {  	[hbm4b:s11+s4] =	stream.indirect_vreg.scatter [tilespmem:s5], [sflag:$0x6], $0x80, v3, vm3, $0xb8;
	[tilespmem:$0x1C500] =	vst v63  }
0x280: {  	s5 =	simm.s32 $0x12D00  }
0x281: {  	[hbm4b:s30+s4] =	stream.indirect_vreg.scatter [tilespmem:s5], [sflag:$0x6], $0x80, v3, vm3, $0xb8;
	[tilespmem:$0x1C500] =	vst v63  }
0x282: {  	s5 =	simm.s32 $0x13500  }
0x283: {  	[hbm4b:s31+s4] =	stream.indirect_vreg.scatter [tilespmem:s5], [sflag:$0x6], $0x80, v3, vm3, $0xb8;
	[tilespmem:$0x1C500] =	vst v63  }
0x284: {  	s5 =	simm.s32 $0x13D00  }
0x285: {  	[hbm4b:s0+s4] =	stream.indirect_vreg.scatter [tilespmem:s5], [sflag:$0x6], $0x80, v3, vm3, $0xb8;
	[tilespmem:$0x1C500] =	vst v63  }
0x286: {  	v3 =	vld [tilespmem:$0x390];
	_ =	sdelay $0x4  }
0x287: {  	v57 =	vshll.u32 v3, $0x3  }
0x288: {  	v3 =	vand.u32 $0x7, v3;
	v4 =	vand.u32 $0xFFFFFFC0, v57  }
0x289: {  	v3 =	vor.u32 v3, v4  }
0x28a: {  	v4 =	vperm.xlane v3, v0;
	_ =	sdelay $0x1  }
0x28b: {  	v4 =	vadd.s32 v1, v4;
	_ =	sdelay $0x3  }
0x28c: {  	s5 =	simm.s32 $0x14500  }
0x28d: {  	[hbm4b:s11+s4] =	stream.indirect_vreg.scatter [tilespmem:s5], [sflag:$0x6], $0x80, v4, vm3, $0xb8;
	[tilespmem:$0x1C500] =	vst v63  }
0x28e: {  	v3 =	vperm.xlane v3, v2;
	s5 =	simm.s32 $0x14D00  }
0x28f: {  	[hbm4b:s30+s4] =	stream.indirect_vreg.scatter [tilespmem:s5], [sflag:$0x6], $0x80, v4, vm3, $0xb8;
	[tilespmem:$0x1C500] =	vst v63  }
0x290: {  	v3 =	vadd.s32 v1, v3;
	s5 =	simm.s32 $0x15500  }
0x291: {  	[hbm4b:s31+s4] =	stream.indirect_vreg.scatter [tilespmem:s5], [sflag:$0x6], $0x80, v4, vm3, $0xb8;
	[tilespmem:$0x1C500] =	vst v63  }
0x292: {  	s5 =	simm.s32 $0x15D00  }
0x293: {  	[hbm4b:s0+s4] =	stream.indirect_vreg.scatter [tilespmem:s5], [sflag:$0x6], $0x80, v4, vm3, $0xb8;
	[tilespmem:$0x1C500] =	vst v63  }
0x294: {  	s5 =	simm.s32 $0x16500  }
0x295: {  	[hbm4b:s11+s4] =	stream.indirect_vreg.scatter [tilespmem:s5], [sflag:$0x6], $0x80, v3, vm3, $0xb8;
	[tilespmem:$0x1C500] =	vst v63  }
0x296: {  	s5 =	simm.s32 $0x16D00  }
0x297: {  	[hbm4b:s30+s4] =	stream.indirect_vreg.scatter [tilespmem:s5], [sflag:$0x6], $0x80, v3, vm3, $0xb8;
	[tilespmem:$0x1C500] =	vst v63  }
0x298: {  	s5 =	simm.s32 $0x17500  }
0x299: {  	[hbm4b:s31+s4] =	stream.indirect_vreg.scatter [tilespmem:s5], [sflag:$0x6], $0x80, v3, vm3, $0xb8;
	[tilespmem:$0x1C500] =	vst v63  }
0x29a: {  	s5 =	simm.s32 $0x17D00  }
0x29b: {  	[hbm4b:s0+s4] =	stream.indirect_vreg.scatter [tilespmem:s5], [sflag:$0x6], $0x80, v3, vm3, $0xb8;
	[tilespmem:$0x1C500] =	vst v63  }
0x29c: {  	s2 =	rddreg [dreg:$0xb];
	_ =	swait.ge [sflag:s12], $0x8000  }
0x29d: {  	[sflag:s12] =	ssyncset.done $0x0  }
0x29e: {  	[sflag:s12] =	ssyncadd.s32 $0xFFFF8000  }
0x29f: {  	v3 =	vld [tilespmem:$0xE0];
	_ =	sdelay $0x4  }
0x2a0: {  	v58 =	vshll.u32 v3, $0x3  }
0x2a1: {  	v3 =	vand.u32 $0x7, v3;
	v4 =	vand.u32 $0xFFFFFFC0, v58  }
0x2a2: {  	v3 =	vor.u32 v3, v4  }
0x2a3: {  	v4 =	vperm.xlane v3, v0;
	_ =	sdelay $0x1  }
0x2a4: {  	v4 =	vadd.s32 v1, v4;
	_ =	sdelay $0x4  }
0x2a5: {  	[tilespmem:s6], [sflag:$0x2] =	stream.indirect_vreg.gather [hbm4b:s1+s4], $0x80, v4, vm3, $0xb8;
	[tilespmem:$0x1C500] =	vst v63  }
0x2a6: {  	v3 =	vperm.xlane v3, v2  }
0x2a7: {  	[tilespmem:s7], [sflag:$0x2] =	stream.indirect_vreg.gather [hbm4b:s8+s4], $0x80, v4, vm3, $0xb8;
	[tilespmem:$0x1C500] =	vst v63  }
0x2a8: {  	s5 =	simm.s32 $0x9500;
	v3 =	vadd.s32 v1, v3  }
0x2a9: {  	[tilespmem:s5], [sflag:$0x2] =	stream.indirect_vreg.gather [hbm4b:s9+s4], $0x80, v4, vm3, $0xb8;
	[tilespmem:$0x1C500] =	vst v63  }
0x2aa: {  	s7 =	simm.s32 $0x9D00  }
0x2ab: {  	[tilespmem:s7], [sflag:$0x2] =	stream.indirect_vreg.gather [hbm4b:s10+s4], $0x80, v4, vm3, $0xb8;
	[tilespmem:$0x1C500] =	vst v63  }
0x2ac: {  	s6 =	simm.s32 $0xA500  }
0x2ad: {  	[tilespmem:s6], [sflag:$0x2] =	stream.indirect_vreg.gather [hbm4b:s1+s4], $0x80, v3, vm3, $0xb8;
	[tilespmem:$0x1C500] =	vst v63  }
0x2ae: {  	s7 =	simm.s32 $0xAD00  }
0x2af: {  	[tilespmem:s7], [sflag:$0x2] =	stream.indirect_vreg.gather [hbm4b:s8+s4], $0x80, v3, vm3, $0xb8;
	[tilespmem:$0x1C500] =	vst v63  }
0x2b0: {  	s7 =	simm.s32 $0xB500  }
0x2b1: {  	[tilespmem:s7], [sflag:$0x2] =	stream.indirect_vreg.gather [hbm4b:s9+s4], $0x80, v3, vm3, $0xb8;
	[tilespmem:$0x1C500] =	vst v63  }
0x2b2: {  	_ = 	snop  }
0x2b3: {  	[tilespmem:s13], [sflag:$0x2] =	stream.indirect_vreg.gather [hbm4b:s10+s4], $0x80, v3, vm3, $0xb8;
	[tilespmem:$0x1C500] =	vst v63  }
0x2b4: {  	v3 =	vld [tilespmem:$0xF0];
	_ =	sdelay $0x4  }
0x2b5: {  	v59 =	vshll.u32 v3, $0x3  }
0x2b6: {  	v3 =	vand.u32 $0x7, v3;
	v4 =	vand.u32 $0xFFFFFFC0, v59  }
0x2b7: {  	v3 =	vor.u32 v3, v4  }
0x2b8: {  	v4 =	vperm.xlane v3, v0;
	_ =	sdelay $0x1  }
0x2b9: {  	v4 =	vadd.s32 v1, v4;
	_ =	sdelay $0x4  }
0x2ba: {  	[tilespmem:s14], [sflag:$0x2] =	stream.indirect_vreg.gather [hbm4b:s1+s4], $0x80, v4, vm3, $0xb8;
	[tilespmem:$0x1C500] =	vst v63  }
0x2bb: {  	v3 =	vperm.xlane v3, v2  }
0x2bc: {  	[tilespmem:s15], [sflag:$0x2] =	stream.indirect_vreg.gather [hbm4b:s8+s4], $0x80, v4, vm3, $0xb8;
	[tilespmem:$0x1C500] =	vst v63  }
0x2bd: {  	v3 =	vadd.s32 v1, v3;
	s14 =	simm.s32 $0xD500  }
0x2be: {  	[tilespmem:s14], [sflag:$0x2] =	stream.indirect_vreg.gather [hbm4b:s9+s4], $0x80, v4, vm3, $0xb8;
	[tilespmem:$0x1C500] =	vst v63  }
0x2bf: {  	s13 =	simm.s32 $0xDD00  }
0x2c0: {  	[tilespmem:s13], [sflag:$0x2] =	stream.indirect_vreg.gather [hbm4b:s10+s4], $0x80, v4, vm3, $0xb8;
	[tilespmem:$0x1C500] =	vst v63  }
0x2c1: {  	s15 =	simm.s32 $0xE500  }
0x2c2: {  	[tilespmem:s15], [sflag:$0x2] =	stream.indirect_vreg.gather [hbm4b:s1+s4], $0x80, v3, vm3, $0xb8;
	[tilespmem:$0x1C500] =	vst v63  }
0x2c3: {  	s14 =	simm.s32 $0xED00  }
0x2c4: {  	[tilespmem:s14], [sflag:$0x2] =	stream.indirect_vreg.gather [hbm4b:s8+s4], $0x80, v3, vm3, $0xb8;
	[tilespmem:$0x1C500] =	vst v63  }
0x2c5: {  	s15 =	simm.s32 $0xF500  }
0x2c6: {  	[tilespmem:s15], [sflag:$0x2] =	stream.indirect_vreg.gather [hbm4b:s9+s4], $0x80, v3, vm3, $0xb8;
	[tilespmem:$0x1C500] =	vst v63  }
0x2c7: {  	s15 =	simm.s32 $0xFD00  }
0x2c8: {  	[tilespmem:s15], [sflag:$0x2] =	stream.indirect_vreg.gather [hbm4b:s10+s4], $0x80, v3, vm3, $0xb8;
	[tilespmem:$0x1C500] =	vst v63  }
0x2c9: {  	_ =	swait.ge [sflag:s23], $0x8000  }
0x2ca: {  	[sflag:s23] =	ssyncset.done $0x0  }
0x2cb: {  	[sflag:s23] =	ssyncadd.s32 $0xFFFF8000  }
0x2cc: {  	v3 =	vld [tilespmem:$0x400];
	_ =	sdelay $0x4  }
0x2cd: {  	v60 =	vshll.u32 v3, $0x3  }
0x2ce: {  	v3 =	vand.u32 $0x7, v3;
	v4 =	vand.u32 $0xFFFFFFC0, v60  }
0x2cf: {  	v3 =	vor.u32 v3, v4  }
0x2d0: {  	v4 =	vperm.xlane v3, v0;
	_ =	sdelay $0x1  }
0x2d1: {  	v4 =	vadd.s32 v1, v4;
	_ =	sdelay $0x4  }
0x2d2: {  	[hbm4b:s11+s4] =	stream.indirect_vreg.scatter [tilespmem:s21], [sflag:$0x4], $0x80, v4, vm3, $0xb8;
	[tilespmem:$0x1C500] =	vst v63  }
0x2d3: {  	v3 =	vperm.xlane v3, v2  }
0x2d4: {  	[hbm4b:s30+s4] =	stream.indirect_vreg.scatter [tilespmem:s22], [sflag:$0x4], $0x80, v4, vm3, $0xb8;
	[tilespmem:$0x1C500] =	vst v63  }
0x2d5: {  	v3 =	vadd.s32 v1, v3;
	s22 =	simm.s32 $0x1500  }
0x2d6: {  	[hbm4b:s31+s4] =	stream.indirect_vreg.scatter [tilespmem:s22], [sflag:$0x4], $0x80, v4, vm3, $0xb8;
	[tilespmem:$0x1C500] =	vst v63  }
0x2d7: {  	s22 =	simm.s32 $0x1D00  }
0x2d8: {  	[hbm4b:s0+s4] =	stream.indirect_vreg.scatter [tilespmem:s22], [sflag:$0x4], $0x80, v4, vm3, $0xb8;
	[tilespmem:$0x1C500] =	vst v63  }
0x2d9: {  	s22 =	simm.s32 $0x2500  }
0x2da: {  	[hbm4b:s11+s4] =	stream.indirect_vreg.scatter [tilespmem:s22], [sflag:$0x4], $0x80, v3, vm3, $0xb8;
	[tilespmem:$0x1C500] =	vst v63  }
0x2db: {  	s22 =	simm.s32 $0x2D00  }
0x2dc: {  	[hbm4b:s30+s4] =	stream.indirect_vreg.scatter [tilespmem:s22], [sflag:$0x4], $0x80, v3, vm3, $0xb8;
	[tilespmem:$0x1C500] =	vst v63  }
0x2dd: {  	s22 =	simm.s32 $0x3500  }
0x2de: {  	[hbm4b:s31+s4] =	stream.indirect_vreg.scatter [tilespmem:s22], [sflag:$0x4], $0x80, v3, vm3, $0xb8;
	[tilespmem:$0x1C500] =	vst v63  }
0x2df: {  	_ = 	snop  }
0x2e0: {  	[hbm4b:s0+s4] =	stream.indirect_vreg.scatter [tilespmem:s25], [sflag:$0x4], $0x80, v3, vm3, $0xb8;
	[tilespmem:$0x1C500] =	vst v63  }
0x2e1: {  	v3 =	vld [tilespmem:$0x410];
	_ =	sdelay $0x4  }
0x2e2: {  	v61 =	vshll.u32 v3, $0x3  }
0x2e3: {  	v3 =	vand.u32 $0x7, v3;
	v4 =	vand.u32 $0xFFFFFFC0, v61  }
0x2e4: {  	v3 =	vor.u32 v3, v4  }
0x2e5: {  	v4 =	vperm.xlane v3, v0;
	_ =	sdelay $0x1  }
0x2e6: {  	v4 =	vadd.s32 v1, v4;
	_ =	sdelay $0x4  }
0x2e7: {  	[hbm4b:s11+s4] =	stream.indirect_vreg.scatter [tilespmem:s28], [sflag:$0x4], $0x80, v4, vm3, $0xb8;
	[tilespmem:$0x1C500] =	vst v63  }
0x2e8: {  	v3 =	vperm.xlane v3, v2  }
0x2e9: {  	[hbm4b:s30+s4] =	stream.indirect_vreg.scatter [tilespmem:s29], [sflag:$0x4], $0x80, v4, vm3, $0xb8;
	[tilespmem:$0x1C500] =	vst v63  }
0x2ea: {  	v3 =	vadd.s32 v1, v3  }
0x2eb: {  	[hbm4b:s31+s4] =	stream.indirect_vreg.scatter [tilespmem:s16], [sflag:$0x4], $0x80, v4, vm3, $0xb8;
	[tilespmem:$0x1C500] =	vst v63  }
0x2ec: {  	_ = 	snop  }
0x2ed: {  	[hbm4b:s0+s4] =	stream.indirect_vreg.scatter [tilespmem:s17], [sflag:$0x4], $0x80, v4, vm3, $0xb8;
	[tilespmem:$0x1C500] =	vst v63  }
0x2ee: {  	_ = 	snop  }
0x2ef: {  	[hbm4b:s11+s4] =	stream.indirect_vreg.scatter [tilespmem:s18], [sflag:$0x4], $0x80, v3, vm3, $0xb8;
	[tilespmem:$0x1C500] =	vst v63  }
0x2f0: {  	_ = 	snop  }
0x2f1: {  	[hbm4b:s30+s4] =	stream.indirect_vreg.scatter [tilespmem:s19], [sflag:$0x4], $0x80, v3, vm3, $0xb8;
	[tilespmem:$0x1C500] =	vst v63  }
0x2f2: {  	_ = 	snop  }
0x2f3: {  	[hbm4b:s31+s4] =	stream.indirect_vreg.scatter [tilespmem:s20], [sflag:$0x4], $0x80, v3, vm3, $0xb8;
	[tilespmem:$0x1C500] =	vst v63  }
0x2f4: {  	s29 =	simm.s32 $0x7D00  }
0x2f5: {  	[hbm4b:s0+s4] =	stream.indirect_vreg.scatter [tilespmem:s29], [sflag:$0x4], $0x80, v3, vm3, $0xb8;
	[tilespmem:$0x1C500] =	vst v63  }
0x2f6: {  	_ =	swait.ge [sflag:s24], $0x8000  }
0x2f7: {  	[sflag:s24] =	ssyncset.done $0x0  }
0x2f8: {  	[sflag:s24] =	ssyncadd.s32 $0xFFFF8000  }
0x2f9: {  	v3 =	vld [tilespmem:$0x480];
	_ =	sdelay $0x4  }
0x2fa: {  	v62 =	vshll.u32 v3, $0x3  }
0x2fb: {  	v3 =	vand.u32 $0x7, v3;
	v4 =	vand.u32 $0xFFFFFFC0, v62  }
0x2fc: {  	v3 =	vor.u32 v3, v4  }
0x2fd: {  	v4 =	vperm.xlane v3, v0;
	_ =	sdelay $0x1  }
0x2fe: {  	v4 =	vadd.s32 v1, v4;
	_ =	sdelay $0x3  }
0x2ff: {  	s17 =	simm.s32 $0x8500  }
0x300: {  	[hbm4b:s11+s4] =	stream.indirect_vreg.scatter [tilespmem:s17], [sflag:$0x5], $0x80, v4, vm3, $0xb8;
	[tilespmem:$0x1C500] =	vst v63  }
0x301: {  	s18 =	simm.s32 $0x8D00;
	v3 =	vperm.xlane v3, v2  }
0x302: {  	[hbm4b:s30+s4] =	stream.indirect_vreg.scatter [tilespmem:s18], [sflag:$0x5], $0x80, v4, vm3, $0xb8;
	[tilespmem:$0x1C500] =	vst v63  }
0x303: {  	v3 =	vadd.s32 v1, v3  }
0x304: {  	[hbm4b:s31+s4] =	stream.indirect_vreg.scatter [tilespmem:s5], [sflag:$0x5], $0x80, v4, vm3, $0xb8;
	[tilespmem:$0x1C500] =	vst v63  }
0x305: {  	s19 =	simm.s32 $0x9D00  }
0x306: {  	[hbm4b:s0+s4] =	stream.indirect_vreg.scatter [tilespmem:s19], [sflag:$0x5], $0x80, v4, vm3, $0xb8;
	[tilespmem:$0x1C500] =	vst v63  }
0x307: {  	_ = 	snop  }
0x308: {  	[hbm4b:s11+s4] =	stream.indirect_vreg.scatter [tilespmem:s6], [sflag:$0x5], $0x80, v3, vm3, $0xb8;
	[tilespmem:$0x1C500] =	vst v63  }
0x309: {  	s20 =	simm.s32 $0xAD00  }
0x30a: {  	[hbm4b:s30+s4] =	stream.indirect_vreg.scatter [tilespmem:s20], [sflag:$0x5], $0x80, v3, vm3, $0xb8;
	[tilespmem:$0x1C500] =	vst v63  }
0x30b: {  	_ = 	snop  }
0x30c: {  	[hbm4b:s31+s4] =	stream.indirect_vreg.scatter [tilespmem:s7], [sflag:$0x5], $0x80, v3, vm3, $0xb8;
	[tilespmem:$0x1C500] =	vst v63  }
0x30d: {  	s21 =	simm.s32 $0xBD00  }
0x30e: {  	[hbm4b:s0+s4] =	stream.indirect_vreg.scatter [tilespmem:s21], [sflag:$0x5], $0x80, v3, vm3, $0xb8;
	[tilespmem:$0x1C500] =	vst v63  }
0x30f: {  	v3 =	vld [tilespmem:$0x490];
	_ =	sdelay $0x4  }
0x310: {  	v63 =	vshll.u32 v3, $0x3  }
0x311: {  	v3 =	vand.u32 $0x7, v3;
	v4 =	vand.u32 $0xFFFFFFC0, v63  }
0x312: {  	v3 =	vor.u32 v3, v4  }
0x313: {  	v4 =	vperm.xlane v3, v0;
	_ =	sdelay $0x1  }
0x314: {  	v4 =	vadd.s32 v1, v4;
	_ =	sdelay $0x3  }
0x315: {  	s22 =	simm.s32 $0xC500  }
0x316: {  	[hbm4b:s11+s4] =	stream.indirect_vreg.scatter [tilespmem:s22], [sflag:$0x5], $0x80, v4, vm3, $0xb8;
	[tilespmem:$0x1C500] =	vst v63  }
0x317: {  	s25 =	simm.s32 $0xCD00;
	v3 =	vperm.xlane v3, v2  }
0x318: {  	[hbm4b:s30+s4] =	stream.indirect_vreg.scatter [tilespmem:s25], [sflag:$0x5], $0x80, v4, vm3, $0xb8;
	[tilespmem:$0x1C500] =	vst v63  }
0x319: {  	s28 =	simm.s32 $0xD500;
	v3 =	vadd.s32 v1, v3  }
0x31a: {  	[hbm4b:s31+s4] =	stream.indirect_vreg.scatter [tilespmem:s28], [sflag:$0x5], $0x80, v4, vm3, $0xb8;
	[tilespmem:$0x1C500] =	vst v63  }
0x31b: {  	_ = 	snop  }
0x31c: {  	[hbm4b:s0+s4] =	stream.indirect_vreg.scatter [tilespmem:s13], [sflag:$0x5], $0x80, v4, vm3, $0xb8;
	[tilespmem:$0x1C500] =	vst v63  }
0x31d: {  	s29 =	simm.s32 $0xE500  }
0x31e: {  	[hbm4b:s11+s4] =	stream.indirect_vreg.scatter [tilespmem:s29], [sflag:$0x5], $0x80, v3, vm3, $0xb8;
	[tilespmem:$0x1C500] =	vst v63  }
0x31f: {  	_ = 	snop  }
0x320: {  	[hbm4b:s30+s4] =	stream.indirect_vreg.scatter [tilespmem:s14], [sflag:$0x5], $0x80, v3, vm3, $0xb8;
	[tilespmem:$0x1C500] =	vst v63  }
0x321: {  	s30 =	simm.s32 $0xF500  }
0x322: {  	[hbm4b:s31+s4] =	stream.indirect_vreg.scatter [tilespmem:s30], [sflag:$0x5], $0x80, v3, vm3, $0xb8;
	[tilespmem:$0x1C500] =	vst v63  }
0x323: {  	_ = 	snop  }
0x324: {  	[hbm4b:s0+s4] =	stream.indirect_vreg.scatter [tilespmem:s15], [sflag:$0x5], $0x80, v3, vm3, $0xb8;
	[tilespmem:$0x1C500] =	vst v63  }
0x325: {  	_ =	swait.ge [sflag:s3], $0x8000  }
0x326: {  	[sflag:s3] =	ssyncset.done $0x0  }
0x327: {  	[sflag:s3] =	ssyncadd.s32 $0xFFFF8000  }
0x328: {  	_ =	swait.ge [sflag:s26], $0x8000  }
0x329: {  	[sflag:s26] =	ssyncset.done $0x0  }
0x32a: {  	s2 =	sadd.s32 $0xFFFFFFFF, s2;
	[sflag:s26] =	ssyncadd.s32 $0xFFFF8000  }
0x32b: {  	p1 =	sne.s32 s2, $0x0;
	_ =	swait.ge [sflag:s12], $0x8000  }
.Ltmp0:
0x32c: {  	[sflag:s12] =	ssyncset.done $0x0;
	(pc) =	sbr.rel @p1 .LBB2_1-.Ltmp0, $4  }
0x32d: {  	s0 =	simm.s32 @!p0 $0x7;
	[sflag:s12] =	ssyncadd.s32 $0xFFFF8000  }
0x32e: {  	_ =	swait.ge @!p0 [sflag:s0], $0x4000  }
0x32f: {  	[sflag:s0] =	ssyncset.done @!p0 $0x0;
	s0 =	simm.s32 @!p0 $0x7  }
0x330: {  	[sflag:s0] =	ssyncadd.s32 @!p0 $0xFFFFC000  }
0x331: {  	_ =	sfence.sel $0x180000  }
0x332: {  	[bflag:$0x0] =	sbarrier.arrive $0xFFFF  }
0x333: {  	_ =	strace $0x90000047  }
0x334: {  	s0 =	stileid.u32;
	[bflag:$0x2] =	sbarrier.arrive $0xFFFF  }
0x335: {  	p0 =	sne.s32 s0, $0x0;
	s0 =	rddreg [dreg:$0x4]  }
0x336: {  	s0 =	sadd.s32 @!p0 $0x100000, s0  }
0x337: {  	[sflag:s0] =	ssyncadd.tile.s32 @!p0 $0x1;
	_ =	shalt  }
.Lfunc_end2:
_tile_overlayer_lowered:
.L_overlay_start_2:
0x338: {  	(tag) =	ssettag $0x2  }
0x339: {  	s0 =	rddreg [dreg:$0x0];
	s2 =	stileid.u32  }
0x33a: {  	s1 =	rddreg [dreg:$0x1];
	p0 =	sne.s32 s2, $0x0  }
0x33b: {  	s3 =	rddreg [dreg:$0x2];
	[bflag:$0x3] =	sbarrier.arrive $0xFFFF;
	s2 =	simm.s32 @!p0 $0x1C08  }
0x33c: {  	[timem:s3], [sflag:s2] =	dma.local @!p0 [hbm:s0], s1  }
0x33d: {  	s0 =	simm.s32 @!p0 $0x8  }
0x33e: {  	_ =	swait.ge @!p0 [sflag:s0], s1  }
0x33f: {  	s1 =	ssub.s32 @!p0 $0x0, s1;
	[sflag:s0] =	ssyncset.done @!p0 $0x0  }
0x340: {  	[sflag:s0] =	ssyncadd.s32 @!p0 s1  }
0x341: {  	[bflag:$0x3] =	sbarrier.arrive $0xFFFF  }
0x342: {  	_ =	shalt  }

// kernel: sparse-core-data-format-call.cloned.1.call-start
scs
called_computation_lowered:
.L_overlay_start_0:
0x0: {  	s2 =	sld [smem:$0x3FD9]  }
0x1: {  	s3 =	sld [smem:$0x3FFE];
	_ =	sdelay $0x1  }
0x2: {  	s1 =	srdreg.scid  }
0x3: {  	s0 =	sand.u32 $0x1, s1  }
0x4: {  	s18 =	sshll.u32 s0, $0xA;
	s2 =	sadd.s32 s3, s2  }
0x5: {  	s2 =	sadd.s32 s2, s18  }
0x6: {  	[smem:$0x3FC5] =	sst s2  }
0x7: {  	_ = 	snop  }
0x8: {  	s2 =	sld [smem:$0x3FD0];
	(tm) =	ssettm $0x1  }
0x9: {  	s19 =	sld [smem:$0x3FFB];
	_ =	sdelay $0x3  }
0xa: {  	_ =	strace s19  }
0xb: {  	s3 =	sld [smem:$0x3FFC];
	_ =	sdelay $0x3  }
0xc: {  	_ =	strace s3  }
0xd: {  	s3 =	sld [smem:$0x3FFD];
	_ =	sdelay $0x3  }
0xe: {  	_ =	strace s3  }
0xf: {  	_ =	strace $0x8FFFFFFF  }
0x10: {  	s20 =	sld [smem:$0x3FDB];
	_ =	sdelay $0x1  }
0x11: {  	s4 =	simm.s32 $_scs_section_size  }
0x12: {  	s5 =	simm.s32 $_size__tile_overlayer_lowered;
	s6 =	simm.s32 $_tile_overlayer_lowered  }
0x13: {  	s23 =	simm.s32 $0x1BFF;
	s22 =	sshll.u32 s6, $0x1;
	s3 =	sadd.s32 s4, s20  }
0x14: {  	s7 =	simm.s32 $0x0;
	s21 =	sshll.u32 s5, $0x1;
	s5 =	sadd.s32 s22, s3  }
0x15: {  	[timem:s7], [sflag:s23] =	dma.local [hbm:s5], s21  }
0x16: {  	_ =	swait.ge [sflag:s23], s21  }
0x17: {  	s4 =	ssub.s32 $0x0, s21;
	[sflag:s23] =	ssyncset.done $0x0  }
0x18: {  	[sflag:s23] =	ssyncadd.s32 s4;
	_ =	sdelay $0x1  }
0x19: {  	s24 =	simm.s32 $0x1B8B  }
0x1a: {  	_ =	swait.ge [sflag:s24], $0x1  }
0x1b: {  	[sflag:s24] =	ssyncset.done $0x0  }
0x1c: {  	s26 =	simm.s32 $0x1B8E;
	s25 =	sld [smem:$0x3FFE];
	[sflag:s24] =	ssyncadd.s32 $0xFFFFFFFF  }
0x1d: {  	s27 =	simm.s32 $execute0_lowered;
	[smem:$0x3FD2] =	sst s26  }
0x1e: {  	s5 =	sshll.u32 s27, $0x1;
	_ =	strace $0x80000049;
	[dreg:$0x1] =	wrdreg $0xFFFFFFFF  }
0x1f: {  	s28 =	simm.s32 $_size_execute0_lowered;
	s3 =	sadd.s32 s3, s5;
	[dreg:$0x0] =	wrdreg $0x0  }
0x20: {  	s5 =	sshll.u32 s28, $0x1;
	[dreg:$0x2] =	wrdreg s3  }
0x21: {  	[dreg:$0x3] =	wrdreg s5  }
0x22: {  	[dreg:$0x4] =	wrdreg $0xC0  }
0x23: {  	_ =	task [dreg:s7], $0x5FFFF  }
0x24: {  	[dreg:$0x1] =	wrdreg $0xFFFFFFFF  }
0x25: {  	[dreg:$0x0] =	wrdreg $0x60  }
0x26: {  	[dreg:$0x2] =	wrdreg s25  }
0x27: {  	[dreg:$0x3] =	wrdreg s2  }
0x28: {  	[dreg:$0x4] =	wrdreg $0x9  }
0x29: {  	_ =	task.clear_ibuf [dreg:s7], $0x5FFFF;
	_ =	strace $0x90000049  }
0x2a: {  	s29 =	simm.s32 $0x9;
	_ =	strace $0x8000004B  }
0x2b: {  	_ =	swait.ge [sflag:s29], $0x1  }
0x2c: {  	[sflag:s29] =	ssyncadd.s32 $0xFFFFFFFF  }
0x2d: {  	_ =	strace $0x9000004B  }
0x2e: {  	_ =	sfence  }
0x2f: {  	s30 =	sld [smem:$0x0];
	_ =	sdelay $0x2  }
0x30: {  	s31 =	sshll.u32 s1, $0xD;
	s1 =	sshrl.u32 s1, $0x2  }
0x31: {  	s3 =	sand.u32 $0x4000, s31;
	s1 =	sadd.s32 s1, s30  }
0x32: {  	s0 =	sor.u32 s3, s0;
	s1 =	sshll.u32 s1, $0x11  }
0x33: {  	s0 =	sor.u32 s1, s0  }
0x34: {  	s0 =	sadd.s32 $0x8F2B, s0  }
0x35: {  	[sflag:s0] =	ssyncadd.remote.s32 $0x1  }
0x36: {  	_ =	sfence.sel $0xFFFF  }
0x37: {  	[dreg:$0x0] =	wrdreg $0xFFFFFFFF;
	(pc) =	sbr.abs _section_cstart, $3  }
0x38: {  	[dreg:$0x1] =	wrdreg $0xFFFFFFFF  }
0x39: {  	_ =	task.clear_ibuf [dreg:s7], $0x2FFFF;
	_ =	strace $0x9FFFFFFF  }
0x3a: {  	(tm) =	ssettm $0x7FFFFFFF  }
0x3b: {  	_ =	shalt  }
tec
execute0_lowered:
.L_overlay_start_1:
0x0: {  	(tag) =	ssettag $0x1  }
0x1: {  	s0 =	srdreg.scid;
	s7 =	rddreg [dreg:$0x0]  }
0x2: {  	s2 =	rddreg [dreg:$0x1];
	s1 =	stileid.u32  }
0x3: {  	s31 =	simm.s32 $0x2;
	s18 =	simm.s32 $0x0;
	s10 =	simm.s32 $0x800  }
0x4: {  	s11 =	simm.s32 $0x1000;
	s12 =	simm.s32 $0x0;
	s19 =	simm.s32 $0x0  }
0x5: {  	s20 =	simm.s32 $0x0;
	s13 =	simm.s32 $0x0;
	s0 =	sshll.u32 s0, $0x9  }
0x6: {  	s14 =	simm.s32 $0x0;
	s4 =	sshll.u32 s1, $0x3;
	s3 =	sand.u32 $0x200, s0  }
0x7: {  	s16 =	simm.s32 $0x0;
	s6 =	ssub.s32 $0x808, s4;
	s5 =	ssub.s32 $0x400, s3  }
0x8: {  	s17 =	simm.s32 $0x0;
	s6 =	sshrl.u32 s6, $0x7;
	s8 =	sshrl.u32 s5, $0x9  }
.Ltmp0:
0x9: {  	s9 =	sshrl.u32 s5, $0xA;
	s8 =	sand.u32 $0x1, s8;
	(pc) =	sbr.rel .LBB1_1-.Ltmp0, $4  }
0xa: {  	s0 =	rddreg [dreg:$0x2];
	s6 =	sadd.s32 $0x1, s6;
	s8 =	sadd.s32 s9, s8  }
0xb: {  	_ =	strace $0x8000004A;
	s5 =	simm.s32 $0x1;
	s6 =	smul.u32 s6, s8  }
0xc: {  	s7 =	sadd.s32 $0xC00, s7;
	s15 =	smov.u32 s4;
	[sflag:s5] =	ssyncpa.u1 $0x0  }
0xd: {  	[sflag:s31] =	ssyncpa.u1 $0x0;
	s8 =	sshll.u32 s3, $0x3;
	s9 =	sadd.s32 $0x1, s6  }
.LBB1_7:
0xe: {  	p0 =	slt.u32 s17, $0x2  }
0xf: {  	p1 =	sgt.s32 @!p0 s18, $0x802  }
0x10: {  	s20 =	smov.u32 s18;
	s21 =	sshra.s32 @!p0 s18, $0x1F;
	p1 =	por !p1, p0  }
0x11: {  	s18 =	sand.u32 @!p0 s21, s18;
	s21 =	ssub.s32 @!p0 $0x0, s19;
	s20 =	simm.s32 @p1 $0x802  }
0x12: {  	s19 =	smin.u32 @!p0 s19, s21;
	s18 =	ssub.s32 @!p0 s20, s18  }
0x13: {  	s22 =	smov.u32 s16;
	p2 =	sgt.s32 @!p0 s19, $0x3;
	s20 =	sadd.s32 @!p0 $0xFFFFF7FE, s18  }
0x14: {  	s19 =	sshll.u32 @!p0 s19, $0x9;
	s18 =	ssub.s32 @!p0 $0x80A, s18;
	p1 =	sgt.s32 @!p0 s20, $0x7  }
0x15: {  	s19 =	ssub.s32 @!p0 $0x800, s19;
	p2 =	por !p2, p0;
	p1 =	por !p1, p0  }
0x16: {  	s21 =	sadd.s32 $0x80, s15;
	s19 =	simm.s32 @!p2 $0x0;
	s18 =	simm.s32 @!p1 $0x0  }
0x17: {  	p1 =	sgt.s32 s21, $0x809;
	s18 =	smul.u32 @!p0 s18, s19;
	s19 =	sadd.s32 $0x4, s16  }
0x18: {  	s22 =	smov.u32 @p1 s19  }
0x19: {  	s21 =	smov.u32 @p1 s4;
	p1 =	sgt.s32 s22, $0x3  }
0x1a: {  	s12 =	sadd.s32 $0x4000, s12;
	s22 =	simm.s32 @p1 $0x0;
	p1 =	sne.s32 s17, s9  }
.Ltmp1:
0x1b: {  	s20 =	simm.s32 @!p0 $0x2;
	s18 =	sand.u32 @!p0 $0x3FFFFE00, s18;
	(pc) =	sbr.rel @!p1 .LBB1_8-.Ltmp1, $4  }
0x1c: {  	s19 =	smov.u32 s14;
	s14 =	smov.u32 s16;
	_ =	swait.ge @!p0 [sflag:s20], s18  }
0x1d: {  	s23 =	ssub.s32 @!p0 $0x0, s18;
	s18 =	smov.u32 s13;
	s17 =	sadd.s32 $0x1, s17  }
0x1e: {  	s13 =	smov.u32 s15;
	s15 =	smov.u32 s21;
	[sflag:s20] =	ssyncset.done @!p0 $0x0  }
0x1f: {  	s16 =	smov.u32 s22;
	[sflag:s20] =	ssyncadd.s32 @!p0 s23;
	s20 =	smov.u32 s3  }
.LBB1_1:
0x20: {  	p0 =	sge.u32 s17, s6  }
0x21: {  	s21 =	sshll.u32 @!p0 s15, $0xA  }
0x22: {  	s21 =	sand.u32 @!p0 $0xFFFFE000, s21  }
0x23: {  	s21 =	sor.u32 @!p0 s8, s21  }
0x24: {  	s21 =	sshrl.u32 @!p0 s21, $0xA  }
0x25: {  	s22 =	smulhi.u32 @!p0 $0x3F80FF, s21;
	_ =	sdelay $0x1  }
0x26: {  	s22 =	sshrl.u32 @!p0 s22, $0x1  }
0x27: {  	s22 =	smul.u32 @!p0 $0x810, s22  }
0x28: {  	s31 =	sadd.s32 $0xFFFFFFFF, s17;
	s23 =	smul.u32 @!p0 $0x40800, s16  }
0x29: {  	s24 =	sxor.u32 @!p0 $0xFFFFFFFF, s17;
	s21 =	ssub.s32 @!p0 s21, s22;
	s22 =	sshll.u32 @!p0 s15, $0x4  }
0x2a: {  	s24 =	sshll.u32 @!p0 s24, $0xE;
	s23 =	sadd.s32 @!p0 s7, s23;
	s22 =	sand.u32 @!p0 $0x70, s22  }
0x2b: {  	s24 =	sand.u32 @!p0 $0x4000, s24;
	s21 =	sshll.u32 @!p0 s21, $0x7;
	s22 =	sadd.s32 @!p0 s22, s23  }
0x2c: {  	s23 =	simm.s32 @!p0 $0x204000;
	s21 =	sadd.s32 @!p0 s21, s22;
	s22 =	simm.s32 @!p0 $0x1000  }
0x2d: {  	[tilespmem:s24], [sflag:$0x1] =	stream.strided.gather @!p0 [hbm4b:s21+s22], $0x4000, s23, s22, $0x38;
	[tilespmem:$0x10000] =	vst v63  }
0x2e: {  	p0 =	sge.u32 s31, s6  }
.Ltmp2:
0x2f: {  	_ = 	snop;
	(pc) =	sbr.rel @p0 .LBB1_7-.Ltmp2, $1  }
0x30: {  	_ =	sdelay $0x3  }
0x31: {  	s21 =	sand.u32 $0x4000, s12;
	_ =	swait.ge [sflag:s5], $0x4000  }
0x32: {  	s24 =	sshll.u32 s17, $0xE;
	s25 =	simm.s32 $0x0;
	s26 =	simm.s32 $0x0  }
0x33: {  	s22 =	sor.u32 $0x8400, s21;
	[sflag:s5] =	ssyncset.done $0x0;
	s24 =	sand.u32 $0x4000, s24  }
0x34: {  	s23 =	sor.u32 $0x810, s21;
	[sflag:s5] =	ssyncadd.s32 $0xFFFFC000;
	s21 =	sor.u32 $0x8000, s24  }
.LBB1_3:
0x35: {  	v4 =	vld [tilespmem:s23+$0xFFFFF7F0]  }
0x36: {  	v5 =	vld [tilespmem:s23+$0xFFFFF800]  }
0x37: {  	s27 =	sshll.u32 s26, $0xC;
	v6 =	vld [tilespmem:s23+$0xFFFFF810]  }
0x38: {  	v0 =	vmov s27  }
0x39: {  	v7 =	vld [tilespmem:s23+$0xFFFFF820]  }
0x3a: {  	s27 =	sand.u32 $0x200, s25;
	[tilespmem:s22+$0xFFFFFC00] =	vst v4;
	v4 =	vld [tilespmem:s23+$0xFFFFF860]  }
0x3b: {  	s28 =	sand.u32 $0x180, s25;
	s27 =	sadd.s32 s27, s24;
	[tilespmem:s22+$0xFFFFFC10] =	vst v5;
	v5 =	vld [tilespmem:s23+$0xFFFFFC00]  }
0x3c: {  	s27 =	sadd.s32 s28, s27;
	[tilespmem:s22+$0xFFFFFC20] =	vst v6;
	v6 =	vld [tilespmem:s23+$0xFFFFFC10]  }
0x3d: {  	v1 =	vld.idx.msk [tilespmem:v0+s27+$0xC00 ss:$0x1], $0xffff  }
0x3e: {  	v2 =	vld.idx.msk [tilespmem:v0+s27+$0x400 ss:$0x1], $0xffff  }
0x3f: {  	[tilespmem:s22+$0xFFFFFC30] =	vst v7;
	v3 =	vld.idx.msk [tilespmem:v0+s27+$0x800 ss:$0x1], $0xffff  }
0x40: {  	v7 =	vld [tilespmem:s23+$0x40];
	[tilespmem:s22+$0xFFFFFC70] =	vst v4  }
0x41: {  	v4 =	vld [tilespmem:s23+$0xFFFFFC50];
	[tilespmem:s22+$0xFFFFFE10] =	vst v5  }
0x42: {  	[tilespmem:s22+$0x200] =	vst v1;
	v1 =	vld [tilespmem:s23+$0xFFFFF830]  }
0x43: {  	[tilespmem:s22+$0xFFFFFE00] =	vst v2;
	v2 =	vld [tilespmem:s23+$0xFFFFF840]  }
0x44: {  	[tilespmem:s22+$0x0] =	vst v3;
	v3 =	vld [tilespmem:s23+$0xFFFFF850]  }
0x45: {  	v5 =	vld [tilespmem:s23+$0xFFFFFC60];
	[tilespmem:s22+$0xFFFFFE20] =	vst v6  }
0x46: {  	v6 =	vld [tilespmem:s23+$0x0];
	[tilespmem:s22+$0x50] =	vst v7  }
0x47: {  	[tilespmem:s22+$0xFFFFFC40] =	vst v1;
	v1 =	vld [tilespmem:s23+$0xFFFFFC20]  }
0x48: {  	[tilespmem:s22+$0xFFFFFC50] =	vst v2;
	v2 =	vld [tilespmem:s23+$0xFFFFFC30]  }
0x49: {  	[tilespmem:s22+$0xFFFFFC60] =	vst v3;
	v3 =	vld [tilespmem:s23+$0xFFFFFC40]  }
0x4a: {  	[tilespmem:s22+$0xFFFFFE70] =	vst v5;
	v5 =	vld [tilespmem:s23+$0x50]  }
0x4b: {  	[tilespmem:s22+$0x10] =	vst v6;
	v6 =	vld [tilespmem:s23+$0x60]  }
0x4c: {  	[tilespmem:s22+$0xFFFFFE30] =	vst v1;
	v1 =	vld [tilespmem:s23+$0x10]  }
0x4d: {  	[tilespmem:s22+$0xFFFFFE40] =	vst v2;
	v2 =	vld [tilespmem:s23+$0x20]  }
0x4e: {  	[tilespmem:s22+$0xFFFFFE50] =	vst v3;
	v3 =	vld [tilespmem:s23+$0x30]  }
0x4f: {  	[tilespmem:s22+$0xFFFFFE60] =	vst v4;
	v4 =	vld [tilespmem:s23+$0x400]  }
0x50: {  	[tilespmem:s22+$0x60] =	vst v5;
	v5 =	vld [tilespmem:s23+$0x440]  }
0x51: {  	[tilespmem:s22+$0x20] =	vst v1;
	v1 =	vld [tilespmem:s23+$0x410]  }
0x52: {  	s30 =	simm.s32 $0x80;
	s29 =	simm.s32 $0x100;
	[tilespmem:s22+$0x30] =	vst v2;
	v2 =	vld [tilespmem:s23+$0x420]  }
0x53: {  	s31 =	sand.u32 $0x200, s30;
	s28 =	smov.u32 s23;
	s27 =	smov.u32 s22;
	[tilespmem:s22+$0x40] =	vst v3;
	v3 =	vld [tilespmem:s23+$0x430]  }
.LBB1_4:
0x54: {  	p0 =	sne.s32 s29, $0x380;
	s30 =	sand.u32 $0x180, s30;
	s31 =	sadd.s32 s31, s24;
	[tilespmem:s27+$0x70] =	vst v6;
	v6 =	vld [tilespmem:s28+$0x450]  }
0x55: {  	s31 =	sadd.s32 s30, s31;
	[tilespmem:s27+$0x210] =	vst v4;
	v4 =	vld [tilespmem:s28+$0x460];
	s30 =	smov.u32 s29  }
0x56: {  	v7 =	vld.idx.msk [tilespmem:v0+s31+$0xC00 ss:$0x1], $0xffff;
	[tilespmem:s27+$0x220] =	vst v1  }
0x57: {  	v1 =	vld.idx.msk [tilespmem:v0+s31+$0x400 ss:$0x1], $0xffff;
	[tilespmem:s27+$0x230] =	vst v2  }
0x58: {  	s28 =	sadd.s32 $0x80, s28;
	v2 =	vld.idx.msk [tilespmem:v0+s31+$0x800 ss:$0x1], $0xffff;
	[tilespmem:s27+$0x240] =	vst v3  }
0x59: {  	v3 =	vld [tilespmem:s28+$0xFFFFF7F0];
	[tilespmem:s27+$0x250] =	vst v5  }
0x5a: {  	v5 =	vld [tilespmem:s28+$0xFFFFF800];
	[tilespmem:s27+$0x260] =	vst v6  }
0x5b: {  	v6 =	vld [tilespmem:s28+$0xFFFFF810];
	[tilespmem:s27+$0x270] =	vst v4;
	s27 =	sadd.s32 $0x800, s27  }
0x5c: {  	v4 =	vld [tilespmem:s28+$0xFFFFF820];
	[tilespmem:s27+$0x200] =	vst v7  }
0x5d: {  	v7 =	vld [tilespmem:s28+$0xFFFFF830];
	[tilespmem:s27+$0xFFFFFE00] =	vst v1  }
0x5e: {  	v1 =	vld [tilespmem:s28+$0xFFFFF840];
	[tilespmem:s27+$0x0] =	vst v2  }
0x5f: {  	[tilespmem:s27+$0xFFFFFC00] =	vst v3;
	v2 =	vld [tilespmem:s28+$0xFFFFF850]  }
0x60: {  	[tilespmem:s27+$0xFFFFFC10] =	vst v5;
	v3 =	vld [tilespmem:s28+$0xFFFFF860]  }
0x61: {  	[tilespmem:s27+$0xFFFFFC20] =	vst v6;
	v5 =	vld [tilespmem:s28+$0xFFFFFC00]  }
0x62: {  	[tilespmem:s27+$0xFFFFFC30] =	vst v4;
	v4 =	vld [tilespmem:s28+$0xFFFFFC10]  }
0x63: {  	[tilespmem:s27+$0xFFFFFC40] =	vst v7;
	v6 =	vld [tilespmem:s28+$0xFFFFFC20]  }
0x64: {  	[tilespmem:s27+$0xFFFFFC50] =	vst v1;
	v1 =	vld [tilespmem:s28+$0xFFFFFC30]  }
0x65: {  	[tilespmem:s27+$0xFFFFFC60] =	vst v2;
	v2 =	vld [tilespmem:s28+$0xFFFFFC40]  }
0x66: {  	[tilespmem:s27+$0xFFFFFC70] =	vst v3;
	v3 =	vld [tilespmem:s28+$0xFFFFFC50]  }
0x67: {  	[tilespmem:s27+$0xFFFFFE10] =	vst v5;
	v5 =	vld [tilespmem:s28+$0xFFFFFC60]  }
0x68: {  	[tilespmem:s27+$0xFFFFFE20] =	vst v4;
	v4 =	vld [tilespmem:s28+$0x0]  }
0x69: {  	[tilespmem:s27+$0xFFFFFE30] =	vst v6;
	v7 =	vld [tilespmem:s28+$0x10]  }
0x6a: {  	[tilespmem:s27+$0xFFFFFE40] =	vst v1;
	v1 =	vld [tilespmem:s28+$0x20]  }
0x6b: {  	[tilespmem:s27+$0xFFFFFE50] =	vst v2;
	v2 =	vld [tilespmem:s28+$0x30]  }
0x6c: {  	[tilespmem:s27+$0xFFFFFE60] =	vst v3;
	v3 =	vld [tilespmem:s28+$0x40]  }
0x6d: {  	[tilespmem:s27+$0xFFFFFE70] =	vst v5;
	v5 =	vld [tilespmem:s28+$0x50]  }
0x6e: {  	[tilespmem:s27+$0x10] =	vst v4;
	v6 =	vld [tilespmem:s28+$0x60]  }
.Ltmp3:
0x6f: {  	[tilespmem:s27+$0x20] =	vst v7;
	v4 =	vld [tilespmem:s28+$0x400];
	(pc) =	sbr.rel @p0 .LBB1_4-.Ltmp3, $4  }
0x70: {  	[tilespmem:s27+$0x30] =	vst v1;
	v1 =	vld [tilespmem:s28+$0x410]  }
0x71: {  	[tilespmem:s27+$0x40] =	vst v2;
	v2 =	vld [tilespmem:s28+$0x420]  }
0x72: {  	[tilespmem:s27+$0x50] =	vst v3;
	v3 =	vld [tilespmem:s28+$0x430]  }
0x73: {  	s29 =	sadd.s32 $0x80, s29;
	s31 =	sand.u32 $0x200, s30;
	[tilespmem:s27+$0x60] =	vst v5;
	v5 =	vld [tilespmem:s28+$0x440]  }
0x74: {  	[tilespmem:s27+$0x70] =	vst v6  }
0x75: {  	v30 =	vld [tilespmem:s28+$0x450];
	[tilespmem:s27+$0x210] =	vst v4  }
0x76: {  	s29 =	sand.u32 $0x180, s30;
	v31 =	vld [tilespmem:s28+$0x460];
	s30 =	sadd.s32 $0x80, s28;
	[tilespmem:s27+$0x220] =	vst v1  }
0x77: {  	v35 =	vld [tilespmem:s30+$0xFFFFF7F0];
	[tilespmem:s27+$0x230] =	vst v2  }
0x78: {  	v36 =	vld [tilespmem:s30+$0xFFFFF800];
	[tilespmem:s27+$0x240] =	vst v3  }
0x79: {  	v37 =	vld [tilespmem:s30+$0xFFFFF810];
	[tilespmem:s27+$0x250] =	vst v5  }
0x7a: {  	s31 =	sadd.s32 s31, s24;
	v38 =	vld [tilespmem:s30+$0xFFFFF820];
	[tilespmem:s27+$0x260] =	vst v30  }
0x7b: {  	s29 =	sadd.s32 s29, s31;
	s31 =	sadd.s32 $0x800, s27;
	v39 =	vld [tilespmem:s30+$0xFFFFF830];
	[tilespmem:s27+$0x270] =	vst v31  }
0x7c: {  	v40 =	vld [tilespmem:s30+$0xFFFFF840];
	[tilespmem:s31+$0xFFFFFC00] =	vst v35  }
0x7d: {  	v41 =	vld [tilespmem:s30+$0xFFFFF850];
	[tilespmem:s31+$0xFFFFFC10] =	vst v36  }
0x7e: {  	v42 =	vld [tilespmem:s30+$0xFFFFF860];
	[tilespmem:s31+$0xFFFFFC20] =	vst v37  }
0x7f: {  	v43 =	vld [tilespmem:s30+$0xFFFFFC00];
	[tilespmem:s31+$0xFFFFFC30] =	vst v38  }
0x80: {  	v44 =	vld [tilespmem:s30+$0xFFFFFC10];
	[tilespmem:s31+$0xFFFFFC40] =	vst v39  }
0x81: {  	v45 =	vld [tilespmem:s30+$0xFFFFFC20];
	[tilespmem:s31+$0xFFFFFC50] =	vst v40  }
0x82: {  	v46 =	vld [tilespmem:s30+$0xFFFFFC30];
	[tilespmem:s31+$0xFFFFFC60] =	vst v41  }
0x83: {  	v47 =	vld [tilespmem:s30+$0xFFFFFC40];
	[tilespmem:s31+$0xFFFFFC70] =	vst v42  }
0x84: {  	v48 =	vld [tilespmem:s30+$0xFFFFFC50];
	[tilespmem:s31+$0xFFFFFE10] =	vst v43  }
0x85: {  	v49 =	vld [tilespmem:s30+$0xFFFFFC60];
	[tilespmem:s31+$0xFFFFFE20] =	vst v44  }
0x86: {  	v50 =	vld [tilespmem:s30+$0x0];
	[tilespmem:s31+$0xFFFFFE30] =	vst v45  }
0x87: {  	v51 =	vld [tilespmem:s30+$0x10];
	[tilespmem:s31+$0xFFFFFE40] =	vst v46  }
0x88: {  	v52 =	vld [tilespmem:s30+$0x20];
	[tilespmem:s31+$0xFFFFFE50] =	vst v47  }
0x89: {  	v53 =	vld [tilespmem:s30+$0x30];
	[tilespmem:s31+$0xFFFFFE60] =	vst v48  }
0x8a: {  	v54 =	vld [tilespmem:s30+$0x40];
	[tilespmem:s31+$0xFFFFFE70] =	vst v49  }
0x8b: {  	v55 =	vld [tilespmem:s30+$0x50];
	[tilespmem:s31+$0x10] =	vst v50  }
0x8c: {  	v56 =	vld [tilespmem:s30+$0x60];
	[tilespmem:s31+$0x20] =	vst v51  }
0x8d: {  	v57 =	vld [tilespmem:s30+$0x400];
	[tilespmem:s31+$0x30] =	vst v52  }
0x8e: {  	v58 =	vld [tilespmem:s30+$0x410];
	[tilespmem:s31+$0x40] =	vst v53  }
0x8f: {  	v59 =	vld [tilespmem:s30+$0x420];
	[tilespmem:s31+$0x50] =	vst v54  }
0x90: {  	v60 =	vld [tilespmem:s30+$0x430];
	[tilespmem:s31+$0x60] =	vst v55  }
0x91: {  	v61 =	vld [tilespmem:s30+$0x440];
	[tilespmem:s31+$0x70] =	vst v56  }
0x92: {  	v62 =	vld [tilespmem:s30+$0x450];
	[tilespmem:s31+$0x210] =	vst v57  }
0x93: {  	v63 =	vld [tilespmem:s30+$0x460];
	[tilespmem:s31+$0x220] =	vst v58  }
0x94: {  	v32 =	vld.idx.msk [tilespmem:v0+s29+$0xC00 ss:$0x1], $0xffff;
	[tilespmem:s31+$0x230] =	vst v59  }
0x95: {  	s26 =	sadd.s32 $0x1, s26;
	v33 =	vld.idx.msk [tilespmem:v0+s29+$0x400 ss:$0x1], $0xffff;
	[tilespmem:s31+$0x240] =	vst v60  }
0x96: {  	p0 =	sne.s32 s26, $0x4;
	v34 =	vld.idx.msk [tilespmem:v0+s29+$0x800 ss:$0x1], $0xffff;
	[tilespmem:s31+$0x250] =	vst v61  }
.Ltmp4:
0x97: {  	[tilespmem:s31+$0x260] =	vst v62;
	(pc) =	sbr.rel @p0 .LBB1_3-.Ltmp4, $4  }
0x98: {  	[tilespmem:s31+$0x270] =	vst v63  }
0x99: {  	[tilespmem:s31+$0x200] =	vst v32  }
0x9a: {  	[tilespmem:s31+$0xFFFFFE00] =	vst v33  }
0x9b: {  	s22 =	sadd.s32 $0x80, s22;
	s23 =	sadd.s32 $0x1000, s23;
	[tilespmem:s31+$0x0] =	vst v34  }
0x9c: {  	p0 =	sgt.s32 s13, $0x802;
	s22 =	smov.u32 s13;
	s23 =	sshra.s32 s13, $0x1F  }
0x9d: {  	s22 =	simm.s32 @!p0 $0x802;
	s23 =	sand.u32 s23, s13  }
0x9e: {  	s28 =	ssub.s32 $0x0, s14;
	s22 =	ssub.s32 s22, s23  }
0x9f: {  	s30 =	sshll.u32 s13, $0x9;
	s23 =	smin.u32 s14, s28;
	s24 =	sadd.s32 $0xFFFFF7FE, s22  }
0xa0: {  	s22 =	ssub.s32 $0x80A, s22;
	s29 =	sshll.u32 s23, $0x9;
	p0 =	sgt.s32 s24, $0x7  }
0xa1: {  	s22 =	simm.s32 @p0 $0x0;
	p0 =	sgt.s32 s23, $0x3;
	s23 =	ssub.s32 $0x800, s29  }
.Ltmp5:
0xa2: {  	s25 =	sshll.u32 s14, $0x4;
	s23 =	simm.s32 @p0 $0x0;
	(pc) =	sbr.rel .LBB1_7-.Ltmp5, $4  }
0xa3: {  	s31 =	sand.u32 $0x30, s25;
	s24 =	sadd.s32 s2, s30;
	s22 =	smul.u32 s22, s23  }
0xa4: {  	s20 =	sshrl.u32 s20, $0x1;
	s23 =	sadd.s32 s31, s24  }
0xa5: {  	s20 =	sadd.s32 s20, s23;
	s22 =	sand.u32 $0x3FFFFE00, s22  }
0xa6: {  	[hbm4b:s20+s10] =	stream.strided.scatter [tilespmem:s21], [sflag:$0x2], s22, s11, s10, $0x38;
	[tilespmem:$0x10000] =	vst v63  }
.LBB1_8:
0xa7: {  	_ =	sfence.sel $0x180000  }
0xa8: {  	s2 =	simm.s32 $0x1;
	[bflag:$0x0] =	sbarrier.arrive $0xFFFF  }
0xa9: {  	s31 =	simm.s32 $0x2;
	[sflag:s2] =	ssyncpa.u1 $0x1  }
0xaa: {  	[sflag:s31] =	ssyncpa.u1 $0x1  }
0xab: {  	p0 =	sne.s32 s1, $0x0;
	_ =	strace $0x9000004A  }
0xac: {  	s0 =	sadd.s32 @!p0 $0x100000, s0;
	[bflag:$0x2] =	sbarrier.arrive $0xFFFF  }
0xad: {  	[sflag:s0] =	ssyncadd.tile.s32 @!p0 $0x1;
	_ =	shalt  }
.Lfunc_end1:
_tile_overlayer_lowered:
.L_overlay_start_2:
0xae: {  	(tag) =	ssettag $0x2  }
0xaf: {  	s0 =	rddreg [dreg:$0x0];
	s2 =	stileid.u32  }
0xb0: {  	s1 =	rddreg [dreg:$0x1];
	p0 =	sne.s32 s2, $0x0  }
0xb1: {  	s3 =	rddreg [dreg:$0x2];
	[bflag:$0x3] =	sbarrier.arrive $0xFFFF;
	s2 =	simm.s32 @!p0 $0x1C01  }
0xb2: {  	[timem:s3], [sflag:s2] =	dma.local @!p0 [hbm:s0], s1  }
0xb3: {  	s0 =	simm.s32 @!p0 $0x1  }
0xb4: {  	_ =	swait.ge @!p0 [sflag:s0], s1  }
0xb5: {  	s1 =	ssub.s32 @!p0 $0x0, s1;
	[sflag:s0] =	ssyncset.done @!p0 $0x0  }
0xb6: {  	[sflag:s0] =	ssyncadd.s32 @!p0 s1  }
0xb7: {  	[bflag:$0x3] =	sbarrier.arrive $0xFFFF  }
0xb8: {  	_ =	shalt  }

</sc_bundles>
